<compile_context>
chip_gen: v7x
topology: tpu7x:2x2x1
jax: 0.10.2.dev20260603
libtpu: 0.0.44.dev20260713+nightly
codegen_flags: <defaults>
</compile_context>

<pallas_src>
import jax
import jax.numpy as jnp
from jax.experimental import pallas as pl
from jax.experimental.pallas import tpu as pltpu

B, V = 32, 1_000_000
D = 64
NB = V // D
CW = 8192
NCHUNK = -(-V // CW)
BM_W = NCHUNK * (CW // D)
NSEL = 80
NC = 64
_EPS = 1e-5
_IBIG = 2**30


def _bm_body(x_ref, bm_ref):
    g = pl.program_id(0)
    x = x_ref[...]
    col = g * CW + jax.lax.broadcasted_iota(jnp.int32, (B, CW), 1)
    x = jnp.where(col < V, x, -jnp.inf)
    bm_ref[...] = jnp.max(x.reshape(B, CW // D, D), axis=-1)


def _block_maxes(logits):
    return pl.pallas_call(
        _bm_body,
        grid=(NCHUNK,),
        in_specs=[pl.BlockSpec((B, CW), lambda g: (0, g))],
        out_specs=pl.BlockSpec((B, CW // D), lambda g: (0, g)),
        out_shape=jax.ShapeDtypeStruct((B, BM_W), jnp.float32),
    )(logits)


def _sel_body(bm_ref, sel_ref, x_ref):
    x_ref[...] = bm_ref[...]
    col = jax.lax.broadcasted_iota(jnp.int32, (B, BM_W), 1)
    slot = jax.lax.broadcasted_iota(jnp.int32, (B, NSEL), 1)

    def step(i, sel_acc):
        x = x_ref[...]
        m = jnp.max(x, axis=1, keepdims=True)
        cand = jnp.where(x >= m, col, _IBIG)
        gid = jnp.min(cand, axis=1, keepdims=True)
        x_ref[...] = jnp.where(cand == gid, -jnp.inf, x)
        return jnp.where(slot == i, gid, sel_acc)

    sel_ref[...] = jax.lax.fori_loop(0, NSEL, step,
                                     jnp.zeros((B, NSEL), jnp.int32))


def _select_blocks(bm):
    return pl.pallas_call(
        _sel_body,
        out_shape=jax.ShapeDtypeStruct((B, NSEL), jnp.int32),
        scratch_shapes=[pltpu.VMEM((B, BM_W), jnp.float32)],
    )(bm)


def _cand_body(g_ref, sel_ref, cv_ref, ci_ref, x_ref, gi_ref):
    x_ref[...] = g_ref[...]
    lane = jax.lax.broadcasted_iota(jnp.int32, (B, NSEL, D), 2)
    gi_ref[...] = (sel_ref[...][:, :, None] * D + lane).reshape(B, NSEL * D)

    slot = jax.lax.broadcasted_iota(jnp.int32, (B, NC), 1)

    def step(i, acc):
        cv_acc, ci_acc = acc
        x = x_ref[...]
        gidx = gi_ref[...]
        m = jnp.max(x, axis=1, keepdims=True)
        cand = jnp.where(x >= m, gidx, _IBIG)
        gi = jnp.min(cand, axis=1, keepdims=True)
        x_ref[...] = jnp.where(cand == gi, -jnp.inf, x)
        return (jnp.where(slot == i, m, cv_acc),
                jnp.where(slot == i, gi, ci_acc))

    cv, ci = jax.lax.fori_loop(0, NC, step,
                               (jnp.zeros((B, NC), jnp.float32),
                                jnp.zeros((B, NC), jnp.int32)))
    cv_ref[...] = cv
    ci_ref[...] = ci


def _extract_candidates(gathered, sel):
    return pl.pallas_call(
        _cand_body,
        out_shape=(jax.ShapeDtypeStruct((B, NC), jnp.float32),
                   jax.ShapeDtypeStruct((B, NC), jnp.int32)),
        scratch_shapes=[pltpu.VMEM((B, NSEL * D), jnp.float32),
                        pltpu.VMEM((B, NSEL * D), jnp.int32)],
    )(gathered, sel)


def _post_body(cv_ref, ci_ref, nz_ref, t_ref, tp_ref,
               samp_ref, ti_ref, tl_ref):
    scaled0 = cv_ref[...]
    ci = ci_ref[...]
    t = t_ref[...]
    temp = jnp.where(t < _EPS, 1.0, t)
    scaled = scaled0 / temp
    iota = jax.lax.broadcasted_iota(jnp.int32, (B, NC), 1)
    kth = jnp.max(jnp.where(iota == 49, scaled, -jnp.inf), axis=1, keepdims=True)
    keepk = scaled >= kth
    m = jnp.max(scaled, axis=1, keepdims=True)
    p = jnp.where(keepk, jnp.exp(scaled - m), 0.0)
    probs = p / jnp.sum(p, axis=1, keepdims=True)
    r = jax.lax.broadcasted_iota(jnp.int32, (NC, NC), 0)
    c = jax.lax.broadcasted_iota(jnp.int32, (NC, NC), 1)
    ut = (r < c).astype(jnp.float32)
    exc = jax.lax.dot(probs, ut, preferred_element_type=jnp.float32)
    surv = keepk & (exc <= tp_ref[...])
    s_cnt = jnp.sum(surv.astype(jnp.int32), axis=1, keepdims=True)
    g = -jnp.log(-jnp.log(nz_ref[...]))
    score = jnp.where(surv, scaled + g, -jnp.inf)
    ms = jnp.max(score, axis=1, keepdims=True)
    pos = jnp.min(jnp.where(score >= ms, iota, _IBIG), axis=1, keepdims=True)
    rs = jnp.sum(jnp.where(iota == pos, ci, 0), axis=1, keepdims=True)
    greedy = jnp.sum(jnp.where(iota == 0, ci, 0), axis=1, keepdims=True)
    samp_ref[...] = jnp.where(t < _EPS, greedy, rs)
    sum_surv = jnp.sum(jnp.where(surv, jnp.exp(scaled - m), 0.0), axis=1, keepdims=True)
    logz = m + jnp.log(sum_surv)
    tl_ref[...] = jnp.where(surv[:, :8], scaled[:, :8] - logz, -jnp.inf)
    used = jnp.concatenate(
        [jnp.max(jnp.where(surv & (ci == v), 1, 0), axis=1, keepdims=True)
         for v in range(16)], axis=1)
    avail = (1 - used).astype(jnp.float32)
    r16 = jax.lax.broadcasted_iota(jnp.int32, (16, 16), 0)
    c16 = jax.lax.broadcasted_iota(jnp.int32, (16, 16), 1)
    inc = (r16 <= c16).astype(jnp.float32)
    rank = jax.lax.dot(avail, inc, preferred_element_type=jnp.float32).astype(jnp.int32)
    v16 = jax.lax.broadcasted_iota(jnp.int32, (B, 16), 1)
    fills = []
    for j in range(8):
        want = j - s_cnt + 1
        hit = (avail > 0) & (rank == want)
        fills.append(jnp.sum(jnp.where(hit, v16, 0), axis=1, keepdims=True))
    fillv = jnp.concatenate(fills, axis=1)
    slots = jax.lax.broadcasted_iota(jnp.int32, (B, 8), 1)
    ti_ref[...] = jnp.where(slots < s_cnt, ci[:, :8], fillv)


def _post(cv, ci, noise_at, temperature, top_p):
    return pl.pallas_call(
        _post_body,
        out_shape=(jax.ShapeDtypeStruct((B, 1), jnp.int32),
                   jax.ShapeDtypeStruct((B, 8), jnp.int32),
                   jax.ShapeDtypeStruct((B, 8), jnp.float32)),
    )(cv, ci, noise_at, temperature.reshape(B, 1), top_p.reshape(B, 1))


def kernel(logits, temperature, top_p, noise, top_k, max_num_logprobs):
    logits = logits.astype(jnp.float32)
    bm = _block_maxes(logits)
    sel = _select_blocks(bm)
    flat = logits.reshape(B * NB, D)
    gsel = sel + jnp.arange(B, dtype=jnp.int32)[:, None] * NB
    gathered = jnp.take(flat, gsel.reshape(-1), axis=0).reshape(B, NSEL * D)
    cv, ci = _extract_candidates(gathered, sel)
    noise_at = jnp.take_along_axis(noise, ci, axis=1)
    samp, ti, tl = _post(cv, ci, noise_at, temperature, top_p)
    return samp.reshape(B), ti, tl

# --- scband reference (transcript-rebuilt; emitter-appended) ---
"""Pipeline reference for scband-sampler-78726750536038 (READ-ONLY COPY).

The authoritative reference and input builder live on the scoring server;
editing this copy changes nothing except your own understanding.
"""

import jax, jax.numpy as jnp
import numpy as np

_SAMPLING_EPS = 1e-05


def _apply_top_k_top_p(logits, top_k, top_p):
    # top-k masking: keep only the top_k largest logits per row
    sorted_desc = jnp.sort(logits, axis=-1)[:, ::-1]
    kth_idx = jnp.broadcast_to(jnp.asarray(top_k - 1, dtype=jnp.int32), (logits.shape[0], 1))
    kth = jnp.take_along_axis(sorted_desc, kth_idx, axis=-1)
    logits = jnp.where(logits < kth, -jnp.inf, logits)
    # top-p (nucleus) masking in sorted (descending) order
    sort_idx = jnp.argsort(logits, axis=-1)[:, ::-1]
    sorted_logits = jnp.take_along_axis(logits, sort_idx, axis=-1)
    sorted_probs = jax.nn.softmax(sorted_logits, axis=-1)
    cumsum = jnp.cumsum(sorted_probs, axis=-1)
    mask = (cumsum - sorted_probs) > top_p[:, None]
    sorted_logits = jnp.where(mask, -jnp.inf, sorted_logits)
    # scatter back to original order
    inv = jnp.argsort(sort_idx, axis=-1)
    logits = jnp.take_along_axis(sorted_logits, inv, axis=-1)
    return logits


def setup_inputs(seed: int = 0) -> dict:
    key = jax.random.key(seed)
    k1, k2, k3, k4 = jax.random.split(key, 4)
    B, V = 32, 1000000
    logits = jax.random.normal(k1, (B, V), dtype=jnp.float32)
    temperature = jax.random.uniform(k2, (B,), dtype=jnp.float32, minval=0.0, maxval=1.5)
    top_p = jax.random.uniform(k3, (B,), dtype=jnp.float32, minval=0.5, maxval=1.0)
    noise = jax.random.uniform(k4, (B, V), dtype=jnp.float32, minval=1e-10, maxval=1.0)
    return {"logits": logits, "temperature": temperature, "top_p": top_p, "noise": noise, "top_k": 50, "max_num_logprobs": 8}


def reference(logits, temperature, top_p, noise, top_k, max_num_logprobs):
    logits = logits.astype(jnp.float32)
    # apply_temperature (temp < eps treated as 1.0 / greedy)
    temp = jnp.where(temperature < _SAMPLING_EPS, 1.0, temperature)
    logits = logits / temp[:, None]
    # apply_top_k_top_p
    masked = _apply_top_k_top_p(logits, top_k, top_p)
    # random sample via Gumbel-max trick with explicit noise (stand-in for generators)
    gumbel = -jnp.log(-jnp.log(noise))
    random_sampled = jnp.argmax(masked + gumbel, axis=-1)
    # greedy sample
    greedy_sampled = jnp.argmax(logits, axis=-1)
    sampled = jnp.where(temperature < _SAMPLING_EPS, greedy_sampled, random_sampled).astype(jnp.int32)
    # logprobs + top-k logprobs (max_num_logprobs > 0 path)
    logprobs = jax.nn.log_softmax(masked, axis=-1)
    topk_logprobs, topk_indices = jax.lax.top_k(logprobs, 8)
    topk_logprobs = topk_logprobs + 0.0 * max_num_logprobs
    return sampled, topk_indices.astype(jnp.int32), topk_logprobs

if __name__ == "__main__":
    import jax
    _d = setup_inputs()
    print(jax.jit(kernel)(*tuple(_d.values())))

</pallas_src>

<mosaic_0001>
module attributes {stable_mosaic.version = 14 : i64} {
  func.func @_bm_body(%arg0: i32, %arg1: memref<32x8192xf32, #tpu.memory_space<vmem>>, %arg2: memref<32x128xf32, #tpu.memory_space<vmem>>) attributes {dimension_semantics = [#tpu.dimension_semantics<arbitrary>], iteration_bounds = array<i64: 123>, scalar_prefetch = 0 : i64, scratch_operands = 0 : i64, tpu.core_type = #tpu.core_type<tc>, window_params = [{transform_indices = @transform_0, window_bounds = array<i64: 32, 8192>}, {transform_indices = @transform_1, window_bounds = array<i64: 32, 128>}]} {
    %get3A = arith.constant 0 : index
    %get3A_0 = arith.constant 0 : index
    %get3A_1 = vector.load %arg1[%get3A, %get3A_0] : memref<32x8192xf32, #tpu.memory_space<vmem>>, vector<32x8192xf32>
    %mul3A = arith.constant 8192 : i32
    %mul3A_2 = arith.muli %arg0, %mul3A : i32
    %iota3A = tpu.iota {dimensions = array<i32: 1>} : vector<32x8192xi32>
    %add3A = vector.broadcast %mul3A_2 : i32 to vector<32x8192xi32>
    %add3A_3 = arith.addi %add3A, %iota3A : vector<32x8192xi32>
    %lt3A = arith.constant 1000000 : i32
    %lt3A_4 = vector.broadcast %lt3A : i32 to vector<32x8192xi32>
    %lt3A_5 = arith.cmpi slt, %add3A_3, %lt3A_4 : vector<32x8192xi32>
    %jit3A = arith.constant 0xFF800000 : f32
    %broadcast_in_dim3A = vector.broadcast %jit3A : f32 to vector<32x8192xf32>
    %select_n3A = arith.select %lt3A_5, %get3A_1, %broadcast_in_dim3A : vector<32x8192xi1>, vector<32x8192xf32>
    %reshape3A = vector.shape_cast %select_n3A : vector<32x8192xf32> to vector<32x128x64xf32>
    %reduce_max3A = arith.constant dense<0xFF800000> : vector<32x128xf32>
    %reduce_max3A_6 = vector.multi_reduction <maximumf>, %reshape3A, %reduce_max3A [2] : vector<32x128x64xf32> to vector<32x128xf32>
    %swap3A = arith.constant 0 : index
    %swap3A_7 = arith.constant 0 : index
    %swap3A_8 = vector.load %arg2[%swap3A, %swap3A_7] : memref<32x128xf32, #tpu.memory_space<vmem>>, vector<32x128xf32>
    tpu.vector_store %arg2[%swap3A, %swap3A_7], %reduce_max3A_6 {strides = array<i32>} : memref<32x128xf32, #tpu.memory_space<vmem>>, vector<32x128xf32>,
    return
  }
  func.func @transform_0(%arg0: i32) -> (i32, i32) {
    %c0_i32 = arith.constant 0 : i32
    %c0_i32_0 = arith.constant 0 : i32
    return %c0_i32, %arg0 : i32, i32
  }
  func.func @transform_1(%arg0: i32) -> (i32, i32) {
    %c0_i32 = arith.constant 0 : i32
    %c0_i32_0 = arith.constant 0 : i32
    return %c0_i32, %arg0 : i32, i32
  }
}

module attributes {stable_mosaic.version = 14 : i64} {
  func.func @_sel_body(%arg0: memref<32x15744xf32, #tpu.memory_space<vmem>>, %arg1: memref<32x80xi32, #tpu.memory_space<vmem>>, %arg2: memref<32x15744xf32, #tpu.memory_space<vmem>>) attributes {dimension_semantics = [], scalar_prefetch = 0 : i64, scratch_operands = 1 : i64, tpu.core_type = #tpu.core_type<tc>} {
    %get3A = arith.constant 0 : index
    %get3A_0 = arith.constant 0 : index
    %get3A_1 = vector.load %arg0[%get3A, %get3A_0] : memref<32x15744xf32, #tpu.memory_space<vmem>>, vector<32x15744xf32>
    %swap3A = arith.constant 0 : index
    %swap3A_2 = arith.constant 0 : index
    %swap3A_3 = vector.load %arg2[%swap3A, %swap3A_2] : memref<32x15744xf32, #tpu.memory_space<vmem>>, vector<32x15744xf32>
    tpu.vector_store %arg2[%swap3A, %swap3A_2], %get3A_1 {strides = array<i32>} : memref<32x15744xf32, #tpu.memory_space<vmem>>, vector<32x15744xf32>,
    %iota3A = tpu.iota {dimensions = array<i32: 1>} : vector<32x15744xi32>
    %iota3A_4 = tpu.iota {dimensions = array<i32: 1>} : vector<32x80xi32>
    %broadcast_in_dim3A = arith.constant 0 : i32
    %broadcast_in_dim3A_5 = vector.broadcast %broadcast_in_dim3A : i32 to vector<32x80xi32>
    %scan3A = arith.constant 0 : i32
    %scan3A_6 = arith.constant 80 : i32
    %scan3A_7 = arith.addi %scan3A, %scan3A_6 : i32
    %scan3A_8 = arith.constant 1 : i32
    %scan3A_9 = scf.for %scan3A_14 = %scan3A to %scan3A_7 step %scan3A_8 iter_args(%scan3A_15 = %broadcast_in_dim3A_5) -> (vector<32x80xi32>)  : i32 {
      %get3A_16 = arith.constant 0 : index
      %get3A_17 = arith.constant 0 : index
      %get3A_18 = vector.load %arg2[%get3A_16, %get3A_17] : memref<32x15744xf32, #tpu.memory_space<vmem>>, vector<32x15744xf32>
      %reduce_max3A = arith.constant dense<0xFF800000> : vector<32xf32>
      %reduce_max3A_19 = vector.multi_reduction <maximumf>, %get3A_18, %reduce_max3A [1] : vector<32x15744xf32> to vector<32xf32>
      %broadcast_in_dim3A_20 = vector.shape_cast %reduce_max3A_19 : vector<32xf32> to vector<32x1xf32>
      %ge3A = vector.broadcast %broadcast_in_dim3A_20 : vector<32x1xf32> to vector<32x15744xf32>
      %ge3A_21 = arith.cmpf oge, %get3A_18, %ge3A : vector<32x15744xf32>
      %jit3A = arith.constant 1073741824 : i32
      %broadcast_in_dim3A_22 = vector.broadcast %jit3A : i32 to vector<32x15744xi32>
      %select_n3A = arith.select %ge3A_21, %iota3A, %broadcast_in_dim3A_22 : vector<32x15744xi1>, vector<32x15744xi32>
      %reduce_min3A = arith.constant dense<2147483647> : vector<32xi32>
      %reduce_min3A_23 = vector.multi_reduction <minsi>, %select_n3A, %reduce_min3A [1] : vector<32x15744xi32> to vector<32xi32>
      %broadcast_in_dim3A_24 = vector.shape_cast %reduce_min3A_23 : vector<32xi32> to vector<32x1xi32>
      %eq3A = vector.broadcast %broadcast_in_dim3A_24 : vector<32x1xi32> to vector<32x15744xi32>
      %eq3A_25 = arith.cmpi eq, %select_n3A, %eq3A : vector<32x15744xi32>
      %jit3A_26 = arith.constant 0xFF800000 : f32
      %broadcast_in_dim3A_27 = vector.broadcast %jit3A_26 : f32 to vector<32x15744xf32>
      %select_n3A_28 = arith.select %eq3A_25, %broadcast_in_dim3A_27, %get3A_18 : vector<32x15744xi1>, vector<32x15744xf32>
      %swap3A_29 = arith.constant 0 : index
      %swap3A_30 = arith.constant 0 : index
      %swap3A_31 = vector.load %arg2[%swap3A_29, %swap3A_30] : memref<32x15744xf32, #tpu.memory_space<vmem>>, vector<32x15744xf32>
      tpu.vector_store %arg2[%swap3A_29, %swap3A_30], %select_n3A_28 {strides = array<i32>} : memref<32x15744xf32, #tpu.memory_space<vmem>>, vector<32x15744xf32>,
      %eq3A_32 = vector.broadcast %scan3A_14 : i32 to vector<32x80xi32>
      %eq3A_33 = arith.cmpi eq, %iota3A_4, %eq3A_32 : vector<32x80xi32>
      %broadcast_in_dim3A_34 = vector.shape_cast %broadcast_in_dim3A_24 : vector<32x1xi32> to vector<32x1xi32>
      %broadcast_in_dim3A_35 = vector.broadcast %broadcast_in_dim3A_34 : vector<32x1xi32> to vector<32x80xi32>
      %select_n3A_36 = arith.select %eq3A_33, %broadcast_in_dim3A_35, %scan3A_15 : vector<32x80xi1>, vector<32x80xi32>
      scf.yield %select_n3A_36 : vector<32x80xi32>
    }
    %scan3A_10 = arith.constant 80 : i32
    %swap3A_11 = arith.constant 0 : index
    %swap3A_12 = arith.constant 0 : index
    %swap3A_13 = vector.load %arg1[%swap3A_11, %swap3A_12] : memref<32x80xi32, #tpu.memory_space<vmem>>, vector<32x80xi32>
    tpu.vector_store %arg1[%swap3A_11, %swap3A_12], %scan3A_9 {strides = array<i32>} : memref<32x80xi32, #tpu.memory_space<vmem>>, vector<32x80xi32>,
    return
  }
}

module attributes {stable_mosaic.version = 14 : i64} {
  func.func @_cand_body(%arg0: memref<32x5120xf32, #tpu.memory_space<vmem>>, %arg1: memref<32x80xi32, #tpu.memory_space<vmem>>, %arg2: memref<32x64xf32, #tpu.memory_space<vmem>>, %arg3: memref<32x64xi32, #tpu.memory_space<vmem>>, %arg4: memref<32x5120xf32, #tpu.memory_space<vmem>>, %arg5: memref<32x5120xi32, #tpu.memory_space<vmem>>) attributes {dimension_semantics = [], scalar_prefetch = 0 : i64, scratch_operands = 2 : i64, tpu.core_type = #tpu.core_type<tc>} {
    %get3A = arith.constant 0 : index
    %get3A_0 = arith.constant 0 : index
    %get3A_1 = vector.load %arg0[%get3A, %get3A_0] : memref<32x5120xf32, #tpu.memory_space<vmem>>, vector<32x5120xf32>
    %swap3A = arith.constant 0 : index
    %swap3A_2 = arith.constant 0 : index
    %swap3A_3 = vector.load %arg4[%swap3A, %swap3A_2] : memref<32x5120xf32, #tpu.memory_space<vmem>>, vector<32x5120xf32>
    tpu.vector_store %arg4[%swap3A, %swap3A_2], %get3A_1 {strides = array<i32>} : memref<32x5120xf32, #tpu.memory_space<vmem>>, vector<32x5120xf32>,
    %iota3A = tpu.iota {dimensions = array<i32: 2>} : vector<32x80x64xi32>
    %get3A_4 = arith.constant 0 : index
    %get3A_5 = arith.constant 0 : index
    %get3A_6 = vector.load %arg1[%get3A_4, %get3A_5] : memref<32x80xi32, #tpu.memory_space<vmem>>, vector<32x80xi32>
    %broadcast_in_dim3A = vector.shape_cast %get3A_6 : vector<32x80xi32> to vector<32x80x1xi32>
    %mul3A = arith.constant 64 : i32
    %mul3A_7 = vector.broadcast %mul3A : i32 to vector<32x80x1xi32>
    %mul3A_8 = arith.muli %broadcast_in_dim3A, %mul3A_7 : vector<32x80x1xi32>
    %add3A = vector.broadcast %mul3A_8 : vector<32x80x1xi32> to vector<32x80x64xi32>
    %add3A_9 = arith.addi %add3A, %iota3A : vector<32x80x64xi32>
    %reshape3A = vector.shape_cast %add3A_9 : vector<32x80x64xi32> to vector<32x5120xi32>
    %swap3A_10 = arith.constant 0 : index
    %swap3A_11 = arith.constant 0 : index
    %swap3A_12 = vector.load %arg5[%swap3A_10, %swap3A_11] : memref<32x5120xi32, #tpu.memory_space<vmem>>, vector<32x5120xi32>
    tpu.vector_store %arg5[%swap3A_10, %swap3A_11], %reshape3A {strides = array<i32>} : memref<32x5120xi32, #tpu.memory_space<vmem>>, vector<32x5120xi32>,
    %iota3A_13 = tpu.iota {dimensions = array<i32: 1>} : vector<32x64xi32>
    %broadcast_in_dim3A_14 = arith.constant 0.000000e+00 : f32
    %broadcast_in_dim3A_15 = vector.broadcast %broadcast_in_dim3A_14 : f32 to vector<32x64xf32>
    %broadcast_in_dim3A_16 = arith.constant 0 : i32
    %broadcast_in_dim3A_17 = vector.broadcast %broadcast_in_dim3A_16 : i32 to vector<32x64xi32>
    %scan3A = arith.constant 0 : i32
    %scan3A_18 = arith.constant 64 : i32
    %scan3A_19 = arith.addi %scan3A, %scan3A_18 : i32
    %scan3A_20 = arith.constant 1 : i32
    %scan3A_21:2 = scf.for %scan3A_29 = %scan3A to %scan3A_19 step %scan3A_20 iter_args(%scan3A_30 = %broadcast_in_dim3A_15, %scan3A_31 = %broadcast_in_dim3A_17) -> (vector<32x64xf32>, vector<32x64xi32>)  : i32 {
      %get3A_32 = arith.constant 0 : index
      %get3A_33 = arith.constant 0 : index
      %get3A_34 = vector.load %arg4[%get3A_32, %get3A_33] : memref<32x5120xf32, #tpu.memory_space<vmem>>, vector<32x5120xf32>
      %get3A_35 = arith.constant 0 : index
      %get3A_36 = arith.constant 0 : index
      %get3A_37 = vector.load %arg5[%get3A_35, %get3A_36] : memref<32x5120xi32, #tpu.memory_space<vmem>>, vector<32x5120xi32>
      %reduce_max3A = arith.constant dense<0xFF800000> : vector<32xf32>
      %reduce_max3A_38 = vector.multi_reduction <maximumf>, %get3A_34, %reduce_max3A [1] : vector<32x5120xf32> to vector<32xf32>
      %broadcast_in_dim3A_39 = vector.shape_cast %reduce_max3A_38 : vector<32xf32> to vector<32x1xf32>
      %ge3A = vector.broadcast %broadcast_in_dim3A_39 : vector<32x1xf32> to vector<32x5120xf32>
      %ge3A_40 = arith.cmpf oge, %get3A_34, %ge3A : vector<32x5120xf32>
      %jit3A = arith.constant 1073741824 : i32
      %broadcast_in_dim3A_41 = vector.broadcast %jit3A : i32 to vector<32x5120xi32>
      %select_n3A = arith.select %ge3A_40, %get3A_37, %broadcast_in_dim3A_41 : vector<32x5120xi1>, vector<32x5120xi32>
      %reduce_min3A = arith.constant dense<2147483647> : vector<32xi32>
      %reduce_min3A_42 = vector.multi_reduction <minsi>, %select_n3A, %reduce_min3A [1] : vector<32x5120xi32> to vector<32xi32>
      %broadcast_in_dim3A_43 = vector.shape_cast %reduce_min3A_42 : vector<32xi32> to vector<32x1xi32>
      %eq3A = vector.broadcast %broadcast_in_dim3A_43 : vector<32x1xi32> to vector<32x5120xi32>
      %eq3A_44 = arith.cmpi eq, %select_n3A, %eq3A : vector<32x5120xi32>
      %jit3A_45 = arith.constant 0xFF800000 : f32
      %broadcast_in_dim3A_46 = vector.broadcast %jit3A_45 : f32 to vector<32x5120xf32>
      %select_n3A_47 = arith.select %eq3A_44, %broadcast_in_dim3A_46, %get3A_34 : vector<32x5120xi1>, vector<32x5120xf32>
      %swap3A_48 = arith.constant 0 : index
      %swap3A_49 = arith.constant 0 : index
      %swap3A_50 = vector.load %arg4[%swap3A_48, %swap3A_49] : memref<32x5120xf32, #tpu.memory_space<vmem>>, vector<32x5120xf32>
      tpu.vector_store %arg4[%swap3A_48, %swap3A_49], %select_n3A_47 {strides = array<i32>} : memref<32x5120xf32, #tpu.memory_space<vmem>>, vector<32x5120xf32>,
      %eq3A_51 = vector.broadcast %scan3A_29 : i32 to vector<32x64xi32>
      %eq3A_52 = arith.cmpi eq, %iota3A_13, %eq3A_51 : vector<32x64xi32>
      %broadcast_in_dim3A_53 = vector.shape_cast %broadcast_in_dim3A_39 : vector<32x1xf32> to vector<32x1xf32>
      %broadcast_in_dim3A_54 = vector.broadcast %broadcast_in_dim3A_53 : vector<32x1xf32> to vector<32x64xf32>
      %select_n3A_55 = arith.select %eq3A_52, %broadcast_in_dim3A_54, %scan3A_30 : vector<32x64xi1>, vector<32x64xf32>
      %eq3A_56 = vector.broadcast %scan3A_29 : i32 to vector<32x64xi32>
      %eq3A_57 = arith.cmpi eq, %iota3A_13, %eq3A_56 : vector<32x64xi32>
      %broadcast_in_dim3A_58 = vector.shape_cast %broadcast_in_dim3A_43 : vector<32x1xi32> to vector<32x1xi32>
      %broadcast_in_dim3A_59 = vector.broadcast %broadcast_in_dim3A_58 : vector<32x1xi32> to vector<32x64xi32>
      %select_n3A_60 = arith.select %eq3A_57, %broadcast_in_dim3A_59, %scan3A_31 : vector<32x64xi1>, vector<32x64xi32>
      scf.yield %select_n3A_55, %select_n3A_60 : vector<32x64xf32>, vector<32x64xi32>
    }
    %scan3A_22 = arith.constant 64 : i32
    %swap3A_23 = arith.constant 0 : index
    %swap3A_24 = arith.constant 0 : index
    %swap3A_25 = vector.load %arg2[%swap3A_23, %swap3A_24] : memref<32x64xf32, #tpu.memory_space<vmem>>, vector<32x64xf32>
    tpu.vector_store %arg2[%swap3A_23, %swap3A_24], %scan3A_21#0 {strides = array<i32>} : memref<32x64xf32, #tpu.memory_space<vmem>>, vector<32x64xf32>,
    %swap3A_26 = arith.constant 0 : index
    %swap3A_27 = arith.constant 0 : index
    %swap3A_28 = vector.load %arg3[%swap3A_26, %swap3A_27] : memref<32x64xi32, #tpu.memory_space<vmem>>, vector<32x64xi32>
    tpu.vector_store %arg3[%swap3A_26, %swap3A_27], %scan3A_21#1 {strides = array<i32>} : memref<32x64xi32, #tpu.memory_space<vmem>>, vector<32x64xi32>,
    return
  }
}

module attributes {stable_mosaic.version = 14 : i64} {
  func.func @_post_body(%arg0: memref<32x64xf32, #tpu.memory_space<vmem>>, %arg1: memref<32x64xi32, #tpu.memory_space<vmem>>, %arg2: memref<32x64xf32, #tpu.memory_space<vmem>>, %arg3: memref<32x1xf32, #tpu.memory_space<vmem>>, %arg4: memref<32x1xf32, #tpu.memory_space<vmem>>, %arg5: memref<32x1xi32, #tpu.memory_space<vmem>>, %arg6: memref<32x8xi32, #tpu.memory_space<vmem>>, %arg7: memref<32x8xf32, #tpu.memory_space<vmem>>) attributes {dimension_semantics = [], scalar_prefetch = 0 : i64, scratch_operands = 0 : i64, tpu.core_type = #tpu.core_type<tc>} {
    %get3A = arith.constant 0 : index
    %get3A_0 = arith.constant 0 : index
    %get3A_1 = vector.load %arg0[%get3A, %get3A_0] : memref<32x64xf32, #tpu.memory_space<vmem>>, vector<32x64xf32>
    %get3A_2 = arith.constant 0 : index
    %get3A_3 = arith.constant 0 : index
    %get3A_4 = vector.load %arg1[%get3A_2, %get3A_3] : memref<32x64xi32, #tpu.memory_space<vmem>>, vector<32x64xi32>
    %get3A_5 = arith.constant 0 : index
    %get3A_6 = arith.constant 0 : index
    %get3A_7 = vector.load %arg3[%get3A_5, %get3A_6] : memref<32x1xf32, #tpu.memory_space<vmem>>, vector<32x1xf32>
    %lt3A = arith.constant 9.99999974E-6 : f32
    %lt3A_8 = vector.broadcast %lt3A : f32 to vector<32x1xf32>
    %lt3A_9 = arith.cmpf olt, %get3A_7, %lt3A_8 : vector<32x1xf32>
    %jit3A = arith.constant 1.000000e+00 : f32
    %broadcast_in_dim3A = vector.broadcast %jit3A : f32 to vector<32x1xf32>
    %select_n3A = arith.select %lt3A_9, %broadcast_in_dim3A, %get3A_7 : vector<32x1xi1>, vector<32x1xf32>
    %div3A = vector.broadcast %select_n3A : vector<32x1xf32> to vector<32x64xf32>
    %div3A_10 = arith.divf %get3A_1, %div3A : vector<32x64xf32>
    %iota3A = tpu.iota {dimensions = array<i32: 1>} : vector<32x64xi32>
    %eq3A = arith.constant 49 : i32
    %eq3A_11 = vector.broadcast %eq3A : i32 to vector<32x64xi32>
    %eq3A_12 = arith.cmpi eq, %iota3A, %eq3A_11 : vector<32x64xi32>
    %jit3A_13 = arith.constant 0xFF800000 : f32
    %broadcast_in_dim3A_14 = vector.broadcast %jit3A_13 : f32 to vector<32x64xf32>
    %select_n3A_15 = arith.select %eq3A_12, %div3A_10, %broadcast_in_dim3A_14 : vector<32x64xi1>, vector<32x64xf32>
    %reduce_max3A = arith.constant dense<0xFF800000> : vector<32xf32>
    %reduce_max3A_16 = vector.multi_reduction <maximumf>, %select_n3A_15, %reduce_max3A [1] : vector<32x64xf32> to vector<32xf32>
    %broadcast_in_dim3A_17 = vector.shape_cast %reduce_max3A_16 : vector<32xf32> to vector<32x1xf32>
    %ge3A = vector.broadcast %broadcast_in_dim3A_17 : vector<32x1xf32> to vector<32x64xf32>
    %ge3A_18 = arith.cmpf oge, %div3A_10, %ge3A : vector<32x64xf32>
    %reduce_max3A_19 = arith.constant dense<0xFF800000> : vector<32xf32>
    %reduce_max3A_20 = vector.multi_reduction <maximumf>, %div3A_10, %reduce_max3A_19 [1] : vector<32x64xf32> to vector<32xf32>
    %broadcast_in_dim3A_21 = vector.shape_cast %reduce_max3A_20 : vector<32xf32> to vector<32x1xf32>
    %sub3A = vector.broadcast %broadcast_in_dim3A_21 : vector<32x1xf32> to vector<32x64xf32>
    %sub3A_22 = arith.subf %div3A_10, %sub3A : vector<32x64xf32>
    %exp3A = math.exp %sub3A_22 : vector<32x64xf32>
    %jit3A_23 = arith.constant 0.000000e+00 : f32
    %broadcast_in_dim3A_24 = vector.broadcast %jit3A_23 : f32 to vector<32x64xf32>
    %select_n3A_25 = arith.select %ge3A_18, %exp3A, %broadcast_in_dim3A_24 : vector<32x64xi1>, vector<32x64xf32>
    %reduce_sum3A = arith.constant dense<0.000000e+00> : vector<32xf32>
    %reduce_sum3A_26 = vector.multi_reduction <add>, %select_n3A_25, %reduce_sum3A [1] : vector<32x64xf32> to vector<32xf32>
    %broadcast_in_dim3A_27 = vector.shape_cast %reduce_sum3A_26 : vector<32xf32> to vector<32x1xf32>
    %div3A_28 = vector.broadcast %broadcast_in_dim3A_27 : vector<32x1xf32> to vector<32x64xf32>
    %div3A_29 = arith.divf %select_n3A_25, %div3A_28 : vector<32x64xf32>
    %iota3A_30 = tpu.iota {dimensions = array<i32: 0>} : vector<64x64xi32>
    %iota3A_31 = tpu.iota {dimensions = array<i32: 1>} : vector<64x64xi32>
    %lt3A_32 = arith.cmpi slt, %iota3A_30, %iota3A_31 : vector<64x64xi32>
    %convert_element_type3A = arith.extui %lt3A_32 : vector<64x64xi1> to vector<64x64xi32>
    %convert_element_type3A_33 = arith.sitofp %convert_element_type3A : vector<64x64xi32> to vector<64x64xf32>
    %dot_general3A = arith.constant dense<0.000000e+00> : vector<32x64xf32>
    %dot_general3A_34 = tpu.matmul %div3A_29, %convert_element_type3A_33, %dot_general3A {dimension_numbers = #tpu.dot_dimension_numbers<[1], [0], [0], [1], [0, 0, 1, 1], [], []>, transpose_lhs_hint = false} : vector<32x64xf32>, vector<64x64xf32>, vector<32x64xf32> -> vector<32x64xf32>
    %get3A_35 = arith.constant 0 : index
    %get3A_36 = arith.constant 0 : index
    %get3A_37 = vector.load %arg4[%get3A_35, %get3A_36] : memref<32x1xf32, #tpu.memory_space<vmem>>, vector<32x1xf32>
    %le3A = vector.broadcast %get3A_37 : vector<32x1xf32> to vector<32x64xf32>
    %le3A_38 = arith.cmpf ole, %dot_general3A_34, %le3A : vector<32x64xf32>
    %and3A = arith.andi %ge3A_18, %le3A_38 : vector<32x64xi1>
    %convert_element_type3A_39 = arith.extui %and3A : vector<32x64xi1> to vector<32x64xi32>
    %reduce_sum3A_40 = arith.constant dense<0> : vector<32xi32>
    %reduce_sum3A_41 = vector.multi_reduction <add>, %convert_element_type3A_39, %reduce_sum3A_40 [1] : vector<32x64xi32> to vector<32xi32>
    %broadcast_in_dim3A_42 = vector.shape_cast %reduce_sum3A_41 : vector<32xi32> to vector<32x1xi32>
    %get3A_43 = arith.constant 0 : index
    %get3A_44 = arith.constant 0 : index
    %get3A_45 = vector.load %arg2[%get3A_43, %get3A_44] : memref<32x64xf32, #tpu.memory_space<vmem>>, vector<32x64xf32>
    %log3A = math.log %get3A_45 : vector<32x64xf32>
    %neg3A = arith.constant 0.000000e+00 : f32
    %neg3A_46 = vector.broadcast %neg3A : f32 to vector<32x64xf32>
    %neg3A_47 = arith.subf %neg3A_46, %log3A : vector<32x64xf32>
    %log3A_48 = math.log %neg3A_47 : vector<32x64xf32>
    %neg3A_49 = arith.constant 0.000000e+00 : f32
    %neg3A_50 = vector.broadcast %neg3A_49 : f32 to vector<32x64xf32>
    %neg3A_51 = arith.subf %neg3A_50, %log3A_48 : vector<32x64xf32>
    %add3A = arith.addf %div3A_10, %neg3A_51 : vector<32x64xf32>
    %jit3A_52 = arith.constant 0xFF800000 : f32
    %broadcast_in_dim3A_53 = vector.broadcast %jit3A_52 : f32 to vector<32x64xf32>
    %select_n3A_54 = arith.select %and3A, %add3A, %broadcast_in_dim3A_53 : vector<32x64xi1>, vector<32x64xf32>
    %reduce_max3A_55 = arith.constant dense<0xFF800000> : vector<32xf32>
    %reduce_max3A_56 = vector.multi_reduction <maximumf>, %select_n3A_54, %reduce_max3A_55 [1] : vector<32x64xf32> to vector<32xf32>
    %broadcast_in_dim3A_57 = vector.shape_cast %reduce_max3A_56 : vector<32xf32> to vector<32x1xf32>
    %ge3A_58 = vector.broadcast %broadcast_in_dim3A_57 : vector<32x1xf32> to vector<32x64xf32>
    %ge3A_59 = arith.cmpf oge, %select_n3A_54, %ge3A_58 : vector<32x64xf32>
    %jit3A_60 = arith.constant 1073741824 : i32
    %broadcast_in_dim3A_61 = vector.broadcast %jit3A_60 : i32 to vector<32x64xi32>
    %select_n3A_62 = arith.select %ge3A_59, %iota3A, %broadcast_in_dim3A_61 : vector<32x64xi1>, vector<32x64xi32>
    %reduce_min3A = arith.constant dense<2147483647> : vector<32xi32>
    %reduce_min3A_63 = vector.multi_reduction <minsi>, %select_n3A_62, %reduce_min3A [1] : vector<32x64xi32> to vector<32xi32>
    %broadcast_in_dim3A_64 = vector.shape_cast %reduce_min3A_63 : vector<32xi32> to vector<32x1xi32>
    %eq3A_65 = vector.broadcast %broadcast_in_dim3A_64 : vector<32x1xi32> to vector<32x64xi32>
    %eq3A_66 = arith.cmpi eq, %iota3A, %eq3A_65 : vector<32x64xi32>
    %jit3A_67 = arith.constant 0 : i32
    %broadcast_in_dim3A_68 = vector.broadcast %jit3A_67 : i32 to vector<32x64xi32>
    %select_n3A_69 = arith.select %eq3A_66, %get3A_4, %broadcast_in_dim3A_68 : vector<32x64xi1>, vector<32x64xi32>
    %reduce_sum3A_70 = arith.constant dense<0> : vector<32xi32>
    %reduce_sum3A_71 = vector.multi_reduction <add>, %select_n3A_69, %reduce_sum3A_70 [1] : vector<32x64xi32> to vector<32xi32>
    %broadcast_in_dim3A_72 = vector.shape_cast %reduce_sum3A_71 : vector<32xi32> to vector<32x1xi32>
    %eq3A_73 = arith.constant 0 : i32
    %eq3A_74 = vector.broadcast %eq3A_73 : i32 to vector<32x64xi32>
    %eq3A_75 = arith.cmpi eq, %iota3A, %eq3A_74 : vector<32x64xi32>
    %jit3A_76 = arith.constant 0 : i32
    %broadcast_in_dim3A_77 = vector.broadcast %jit3A_76 : i32 to vector<32x64xi32>
    %select_n3A_78 = arith.select %eq3A_75, %get3A_4, %broadcast_in_dim3A_77 : vector<32x64xi1>, vector<32x64xi32>
    %reduce_sum3A_79 = arith.constant dense<0> : vector<32xi32>
    %reduce_sum3A_80 = vector.multi_reduction <add>, %select_n3A_78, %reduce_sum3A_79 [1] : vector<32x64xi32> to vector<32xi32>
    %broadcast_in_dim3A_81 = vector.shape_cast %reduce_sum3A_80 : vector<32xi32> to vector<32x1xi32>
    %lt3A_82 = arith.constant 9.99999974E-6 : f32
    %lt3A_83 = vector.broadcast %lt3A_82 : f32 to vector<32x1xf32>
    %lt3A_84 = arith.cmpf olt, %get3A_7, %lt3A_83 : vector<32x1xf32>
    %select_n3A_85 = arith.select %lt3A_84, %broadcast_in_dim3A_81, %broadcast_in_dim3A_72 : vector<32x1xi1>, vector<32x1xi32>
    %swap3A = arith.constant 0 : index
    %swap3A_86 = arith.constant 0 : index
    %swap3A_87 = vector.load %arg5[%swap3A, %swap3A_86] : memref<32x1xi32, #tpu.memory_space<vmem>>, vector<32x1xi32>
    tpu.vector_store %arg5[%swap3A, %swap3A_86], %select_n3A_85 {strides = array<i32>} : memref<32x1xi32, #tpu.memory_space<vmem>>, vector<32x1xi32>,
    %sub3A_88 = vector.broadcast %broadcast_in_dim3A_21 : vector<32x1xf32> to vector<32x64xf32>
    %sub3A_89 = arith.subf %div3A_10, %sub3A_88 : vector<32x64xf32>
    %exp3A_90 = math.exp %sub3A_89 : vector<32x64xf32>
    %jit3A_91 = arith.constant 0.000000e+00 : f32
    %broadcast_in_dim3A_92 = vector.broadcast %jit3A_91 : f32 to vector<32x64xf32>
    %select_n3A_93 = arith.select %and3A, %exp3A_90, %broadcast_in_dim3A_92 : vector<32x64xi1>, vector<32x64xf32>
    %reduce_sum3A_94 = arith.constant dense<0.000000e+00> : vector<32xf32>
    %reduce_sum3A_95 = vector.multi_reduction <add>, %select_n3A_93, %reduce_sum3A_94 [1] : vector<32x64xf32> to vector<32xf32>
    %broadcast_in_dim3A_96 = vector.shape_cast %reduce_sum3A_95 : vector<32xf32> to vector<32x1xf32>
    %log3A_97 = math.log %broadcast_in_dim3A_96 : vector<32x1xf32>
    %add3A_98 = arith.addf %broadcast_in_dim3A_21, %log3A_97 : vector<32x1xf32>
    %slice3A = vector.extract_strided_slice %and3A {offsets = [0, 0], sizes = [32, 8], strides = [1, 1]} : vector<32x64xi1> to vector<32x8xi1>
    %slice3A_99 = vector.extract_strided_slice %div3A_10 {offsets = [0, 0], sizes = [32, 8], strides = [1, 1]} : vector<32x64xf32> to vector<32x8xf32>
    %sub3A_100 = vector.broadcast %add3A_98 : vector<32x1xf32> to vector<32x8xf32>
    %sub3A_101 = arith.subf %slice3A_99, %sub3A_100 : vector<32x8xf32>
    %jit3A_102 = arith.constant 0xFF800000 : f32
    %broadcast_in_dim3A_103 = vector.broadcast %jit3A_102 : f32 to vector<32x8xf32>
    %select_n3A_104 = arith.select %slice3A, %sub3A_101, %broadcast_in_dim3A_103 : vector<32x8xi1>, vector<32x8xf32>
    %swap3A_105 = arith.constant 0 : index
    %swap3A_106 = arith.constant 0 : index
    %swap3A_107 = vector.load %arg7[%swap3A_105, %swap3A_106] : memref<32x8xf32, #tpu.memory_space<vmem>>, vector<32x8xf32>
    tpu.vector_store %arg7[%swap3A_105, %swap3A_106], %select_n3A_104 {strides = array<i32>} : memref<32x8xf32, #tpu.memory_space<vmem>>, vector<32x8xf32>,
    %eq3A_108 = arith.constant 0 : i32
    %eq3A_109 = vector.broadcast %eq3A_108 : i32 to vector<32x64xi32>
    %eq3A_110 = arith.cmpi eq, %get3A_4, %eq3A_109 : vector<32x64xi32>
    %and3A_111 = arith.andi %and3A, %eq3A_110 : vector<32x64xi1>
    %jit3A_112 = arith.constant 1 : i32
    %jit3A_113 = arith.constant 0 : i32
    %broadcast_in_dim3A_114 = vector.broadcast %jit3A_112 : i32 to vector<32x64xi32>
    %broadcast_in_dim3A_115 = vector.broadcast %jit3A_113 : i32 to vector<32x64xi32>
    %select_n3A_116 = arith.select %and3A_111, %broadcast_in_dim3A_114, %broadcast_in_dim3A_115 : vector<32x64xi1>, vector<32x64xi32>
    %reduce_max3A_117 = arith.constant dense<-2147483648> : vector<32xi32>
    %reduce_max3A_118 = vector.multi_reduction <maxsi>, %select_n3A_116, %reduce_max3A_117 [1] : vector<32x64xi32> to vector<32xi32>
    %broadcast_in_dim3A_119 = vector.shape_cast %reduce_max3A_118 : vector<32xi32> to vector<32x1xi32>
    %eq3A_120 = arith.constant 1 : i32
    %eq3A_121 = vector.broadcast %eq3A_120 : i32 to vector<32x64xi32>
    %eq3A_122 = arith.cmpi eq, %get3A_4, %eq3A_121 : vector<32x64xi32>
    %and3A_123 = arith.andi %and3A, %eq3A_122 : vector<32x64xi1>
    %jit3A_124 = arith.constant 1 : i32
    %jit3A_125 = arith.constant 0 : i32
    %broadcast_in_dim3A_126 = vector.broadcast %jit3A_124 : i32 to vector<32x64xi32>
    %broadcast_in_dim3A_127 = vector.broadcast %jit3A_125 : i32 to vector<32x64xi32>
    %select_n3A_128 = arith.select %and3A_123, %broadcast_in_dim3A_126, %broadcast_in_dim3A_127 : vector<32x64xi1>, vector<32x64xi32>
    %reduce_max3A_129 = arith.constant dense<-2147483648> : vector<32xi32>
    %reduce_max3A_130 = vector.multi_reduction <maxsi>, %select_n3A_128, %reduce_max3A_129 [1] : vector<32x64xi32> to vector<32xi32>
    %broadcast_in_dim3A_131 = vector.shape_cast %reduce_max3A_130 : vector<32xi32> to vector<32x1xi32>
    %eq3A_132 = arith.constant 2 : i32
    %eq3A_133 = vector.broadcast %eq3A_132 : i32 to vector<32x64xi32>
    %eq3A_134 = arith.cmpi eq, %get3A_4, %eq3A_133 : vector<32x64xi32>
    %and3A_135 = arith.andi %and3A, %eq3A_134 : vector<32x64xi1>
    %jit3A_136 = arith.constant 1 : i32
    %jit3A_137 = arith.constant 0 : i32
    %broadcast_in_dim3A_138 = vector.broadcast %jit3A_136 : i32 to vector<32x64xi32>
    %broadcast_in_dim3A_139 = vector.broadcast %jit3A_137 : i32 to vector<32x64xi32>
    %select_n3A_140 = arith.select %and3A_135, %broadcast_in_dim3A_138, %broadcast_in_dim3A_139 : vector<32x64xi1>, vector<32x64xi32>
    %reduce_max3A_141 = arith.constant dense<-2147483648> : vector<32xi32>
    %reduce_max3A_142 = vector.multi_reduction <maxsi>, %select_n3A_140, %reduce_max3A_141 [1] : vector<32x64xi32> to vector<32xi32>
    %broadcast_in_dim3A_143 = vector.shape_cast %reduce_max3A_142 : vector<32xi32> to vector<32x1xi32>
    %eq3A_144 = arith.constant 3 : i32
    %eq3A_145 = vector.broadcast %eq3A_144 : i32 to vector<32x64xi32>
    %eq3A_146 = arith.cmpi eq, %get3A_4, %eq3A_145 : vector<32x64xi32>
    %and3A_147 = arith.andi %and3A, %eq3A_146 : vector<32x64xi1>
    %jit3A_148 = arith.constant 1 : i32
    %jit3A_149 = arith.constant 0 : i32
    %broadcast_in_dim3A_150 = vector.broadcast %jit3A_148 : i32 to vector<32x64xi32>
    %broadcast_in_dim3A_151 = vector.broadcast %jit3A_149 : i32 to vector<32x64xi32>
    %select_n3A_152 = arith.select %and3A_147, %broadcast_in_dim3A_150, %broadcast_in_dim3A_151 : vector<32x64xi1>, vector<32x64xi32>
    %reduce_max3A_153 = arith.constant dense<-2147483648> : vector<32xi32>
    %reduce_max3A_154 = vector.multi_reduction <maxsi>, %select_n3A_152, %reduce_max3A_153 [1] : vector<32x64xi32> to vector<32xi32>
    %broadcast_in_dim3A_155 = vector.shape_cast %reduce_max3A_154 : vector<32xi32> to vector<32x1xi32>
    %eq3A_156 = arith.constant 4 : i32
    %eq3A_157 = vector.broadcast %eq3A_156 : i32 to vector<32x64xi32>
    %eq3A_158 = arith.cmpi eq, %get3A_4, %eq3A_157 : vector<32x64xi32>
    %and3A_159 = arith.andi %and3A, %eq3A_158 : vector<32x64xi1>
    %jit3A_160 = arith.constant 1 : i32
    %jit3A_161 = arith.constant 0 : i32
    %broadcast_in_dim3A_162 = vector.broadcast %jit3A_160 : i32 to vector<32x64xi32>
    %broadcast_in_dim3A_163 = vector.broadcast %jit3A_161 : i32 to vector<32x64xi32>
    %select_n3A_164 = arith.select %and3A_159, %broadcast_in_dim3A_162, %broadcast_in_dim3A_163 : vector<32x64xi1>, vector<32x64xi32>
    %reduce_max3A_165 = arith.constant dense<-2147483648> : vector<32xi32>
    %reduce_max3A_166 = vector.multi_reduction <maxsi>, %select_n3A_164, %reduce_max3A_165 [1] : vector<32x64xi32> to vector<32xi32>
    %broadcast_in_dim3A_167 = vector.shape_cast %reduce_max3A_166 : vector<32xi32> to vector<32x1xi32>
    %eq3A_168 = arith.constant 5 : i32
    %eq3A_169 = vector.broadcast %eq3A_168 : i32 to vector<32x64xi32>
    %eq3A_170 = arith.cmpi eq, %get3A_4, %eq3A_169 : vector<32x64xi32>
    %and3A_171 = arith.andi %and3A, %eq3A_170 : vector<32x64xi1>
    %jit3A_172 = arith.constant 1 : i32
    %jit3A_173 = arith.constant 0 : i32
    %broadcast_in_dim3A_174 = vector.broadcast %jit3A_172 : i32 to vector<32x64xi32>
    %broadcast_in_dim3A_175 = vector.broadcast %jit3A_173 : i32 to vector<32x64xi32>
    %select_n3A_176 = arith.select %and3A_171, %broadcast_in_dim3A_174, %broadcast_in_dim3A_175 : vector<32x64xi1>, vector<32x64xi32>
    %reduce_max3A_177 = arith.constant dense<-2147483648> : vector<32xi32>
    %reduce_max3A_178 = vector.multi_reduction <maxsi>, %select_n3A_176, %reduce_max3A_177 [1] : vector<32x64xi32> to vector<32xi32>
    %broadcast_in_dim3A_179 = vector.shape_cast %reduce_max3A_178 : vector<32xi32> to vector<32x1xi32>
    %eq3A_180 = arith.constant 6 : i32
    %eq3A_181 = vector.broadcast %eq3A_180 : i32 to vector<32x64xi32>
    %eq3A_182 = arith.cmpi eq, %get3A_4, %eq3A_181 : vector<32x64xi32>
    %and3A_183 = arith.andi %and3A, %eq3A_182 : vector<32x64xi1>
    %jit3A_184 = arith.constant 1 : i32
    %jit3A_185 = arith.constant 0 : i32
    %broadcast_in_dim3A_186 = vector.broadcast %jit3A_184 : i32 to vector<32x64xi32>
    %broadcast_in_dim3A_187 = vector.broadcast %jit3A_185 : i32 to vector<32x64xi32>
    %select_n3A_188 = arith.select %and3A_183, %broadcast_in_dim3A_186, %broadcast_in_dim3A_187 : vector<32x64xi1>, vector<32x64xi32>
    %reduce_max3A_189 = arith.constant dense<-2147483648> : vector<32xi32>
    %reduce_max3A_190 = vector.multi_reduction <maxsi>, %select_n3A_188, %reduce_max3A_189 [1] : vector<32x64xi32> to vector<32xi32>
    %broadcast_in_dim3A_191 = vector.shape_cast %reduce_max3A_190 : vector<32xi32> to vector<32x1xi32>
    %eq3A_192 = arith.constant 7 : i32
    %eq3A_193 = vector.broadcast %eq3A_192 : i32 to vector<32x64xi32>
    %eq3A_194 = arith.cmpi eq, %get3A_4, %eq3A_193 : vector<32x64xi32>
    %and3A_195 = arith.andi %and3A, %eq3A_194 : vector<32x64xi1>
    %jit3A_196 = arith.constant 1 : i32
    %jit3A_197 = arith.constant 0 : i32
    %broadcast_in_dim3A_198 = vector.broadcast %jit3A_196 : i32 to vector<32x64xi32>
    %broadcast_in_dim3A_199 = vector.broadcast %jit3A_197 : i32 to vector<32x64xi32>
    %select_n3A_200 = arith.select %and3A_195, %broadcast_in_dim3A_198, %broadcast_in_dim3A_199 : vector<32x64xi1>, vector<32x64xi32>
    %reduce_max3A_201 = arith.constant dense<-2147483648> : vector<32xi32>
    %reduce_max3A_202 = vector.multi_reduction <maxsi>, %select_n3A_200, %reduce_max3A_201 [1] : vector<32x64xi32> to vector<32xi32>
    %broadcast_in_dim3A_203 = vector.shape_cast %reduce_max3A_202 : vector<32xi32> to vector<32x1xi32>
    %eq3A_204 = arith.constant 8 : i32
    %eq3A_205 = vector.broadcast %eq3A_204 : i32 to vector<32x64xi32>
    %eq3A_206 = arith.cmpi eq, %get3A_4, %eq3A_205 : vector<32x64xi32>
    %and3A_207 = arith.andi %and3A, %eq3A_206 : vector<32x64xi1>
    %jit3A_208 = arith.constant 1 : i32
    %jit3A_209 = arith.constant 0 : i32
    %broadcast_in_dim3A_210 = vector.broadcast %jit3A_208 : i32 to vector<32x64xi32>
    %broadcast_in_dim3A_211 = vector.broadcast %jit3A_209 : i32 to vector<32x64xi32>
    %select_n3A_212 = arith.select %and3A_207, %broadcast_in_dim3A_210, %broadcast_in_dim3A_211 : vector<32x64xi1>, vector<32x64xi32>
    %reduce_max3A_213 = arith.constant dense<-2147483648> : vector<32xi32>
    %reduce_max3A_214 = vector.multi_reduction <maxsi>, %select_n3A_212, %reduce_max3A_213 [1] : vector<32x64xi32> to vector<32xi32>
    %broadcast_in_dim3A_215 = vector.shape_cast %reduce_max3A_214 : vector<32xi32> to vector<32x1xi32>
    %eq3A_216 = arith.constant 9 : i32
    %eq3A_217 = vector.broadcast %eq3A_216 : i32 to vector<32x64xi32>
    %eq3A_218 = arith.cmpi eq, %get3A_4, %eq3A_217 : vector<32x64xi32>
    %and3A_219 = arith.andi %and3A, %eq3A_218 : vector<32x64xi1>
    %jit3A_220 = arith.constant 1 : i32
    %jit3A_221 = arith.constant 0 : i32
    %broadcast_in_dim3A_222 = vector.broadcast %jit3A_220 : i32 to vector<32x64xi32>
    %broadcast_in_dim3A_223 = vector.broadcast %jit3A_221 : i32 to vector<32x64xi32>
    %select_n3A_224 = arith.select %and3A_219, %broadcast_in_dim3A_222, %broadcast_in_dim3A_223 : vector<32x64xi1>, vector<32x64xi32>
    %reduce_max3A_225 = arith.constant dense<-2147483648> : vector<32xi32>
    %reduce_max3A_226 = vector.multi_reduction <maxsi>, %select_n3A_224, %reduce_max3A_225 [1] : vector<32x64xi32> to vector<32xi32>
    %broadcast_in_dim3A_227 = vector.shape_cast %reduce_max3A_226 : vector<32xi32> to vector<32x1xi32>
    %eq3A_228 = arith.constant 10 : i32
    %eq3A_229 = vector.broadcast %eq3A_228 : i32 to vector<32x64xi32>
    %eq3A_230 = arith.cmpi eq, %get3A_4, %eq3A_229 : vector<32x64xi32>
    %and3A_231 = arith.andi %and3A, %eq3A_230 : vector<32x64xi1>
    %jit3A_232 = arith.constant 1 : i32
    %jit3A_233 = arith.constant 0 : i32
    %broadcast_in_dim3A_234 = vector.broadcast %jit3A_232 : i32 to vector<32x64xi32>
    %broadcast_in_dim3A_235 = vector.broadcast %jit3A_233 : i32 to vector<32x64xi32>
    %select_n3A_236 = arith.select %and3A_231, %broadcast_in_dim3A_234, %broadcast_in_dim3A_235 : vector<32x64xi1>, vector<32x64xi32>
    %reduce_max3A_237 = arith.constant dense<-2147483648> : vector<32xi32>
    %reduce_max3A_238 = vector.multi_reduction <maxsi>, %select_n3A_236, %reduce_max3A_237 [1] : vector<32x64xi32> to vector<32xi32>
    %broadcast_in_dim3A_239 = vector.shape_cast %reduce_max3A_238 : vector<32xi32> to vector<32x1xi32>
    %eq3A_240 = arith.constant 11 : i32
    %eq3A_241 = vector.broadcast %eq3A_240 : i32 to vector<32x64xi32>
    %eq3A_242 = arith.cmpi eq, %get3A_4, %eq3A_241 : vector<32x64xi32>
    %and3A_243 = arith.andi %and3A, %eq3A_242 : vector<32x64xi1>
    %jit3A_244 = arith.constant 1 : i32
    %jit3A_245 = arith.constant 0 : i32
    %broadcast_in_dim3A_246 = vector.broadcast %jit3A_244 : i32 to vector<32x64xi32>
    %broadcast_in_dim3A_247 = vector.broadcast %jit3A_245 : i32 to vector<32x64xi32>
    %select_n3A_248 = arith.select %and3A_243, %broadcast_in_dim3A_246, %broadcast_in_dim3A_247 : vector<32x64xi1>, vector<32x64xi32>
    %reduce_max3A_249 = arith.constant dense<-2147483648> : vector<32xi32>
    %reduce_max3A_250 = vector.multi_reduction <maxsi>, %select_n3A_248, %reduce_max3A_249 [1] : vector<32x64xi32> to vector<32xi32>
    %broadcast_in_dim3A_251 = vector.shape_cast %reduce_max3A_250 : vector<32xi32> to vector<32x1xi32>
    %eq3A_252 = arith.constant 12 : i32
    %eq3A_253 = vector.broadcast %eq3A_252 : i32 to vector<32x64xi32>
    %eq3A_254 = arith.cmpi eq, %get3A_4, %eq3A_253 : vector<32x64xi32>
    %and3A_255 = arith.andi %and3A, %eq3A_254 : vector<32x64xi1>
    %jit3A_256 = arith.constant 1 : i32
    %jit3A_257 = arith.constant 0 : i32
    %broadcast_in_dim3A_258 = vector.broadcast %jit3A_256 : i32 to vector<32x64xi32>
    %broadcast_in_dim3A_259 = vector.broadcast %jit3A_257 : i32 to vector<32x64xi32>
    %select_n3A_260 = arith.select %and3A_255, %broadcast_in_dim3A_258, %broadcast_in_dim3A_259 : vector<32x64xi1>, vector<32x64xi32>
    %reduce_max3A_261 = arith.constant dense<-2147483648> : vector<32xi32>
    %reduce_max3A_262 = vector.multi_reduction <maxsi>, %select_n3A_260, %reduce_max3A_261 [1] : vector<32x64xi32> to vector<32xi32>
    %broadcast_in_dim3A_263 = vector.shape_cast %reduce_max3A_262 : vector<32xi32> to vector<32x1xi32>
    %eq3A_264 = arith.constant 13 : i32
    %eq3A_265 = vector.broadcast %eq3A_264 : i32 to vector<32x64xi32>
    %eq3A_266 = arith.cmpi eq, %get3A_4, %eq3A_265 : vector<32x64xi32>
    %and3A_267 = arith.andi %and3A, %eq3A_266 : vector<32x64xi1>
    %jit3A_268 = arith.constant 1 : i32
    %jit3A_269 = arith.constant 0 : i32
    %broadcast_in_dim3A_270 = vector.broadcast %jit3A_268 : i32 to vector<32x64xi32>
    %broadcast_in_dim3A_271 = vector.broadcast %jit3A_269 : i32 to vector<32x64xi32>
    %select_n3A_272 = arith.select %and3A_267, %broadcast_in_dim3A_270, %broadcast_in_dim3A_271 : vector<32x64xi1>, vector<32x64xi32>
    %reduce_max3A_273 = arith.constant dense<-2147483648> : vector<32xi32>
    %reduce_max3A_274 = vector.multi_reduction <maxsi>, %select_n3A_272, %reduce_max3A_273 [1] : vector<32x64xi32> to vector<32xi32>
    %broadcast_in_dim3A_275 = vector.shape_cast %reduce_max3A_274 : vector<32xi32> to vector<32x1xi32>
    %eq3A_276 = arith.constant 14 : i32
    %eq3A_277 = vector.broadcast %eq3A_276 : i32 to vector<32x64xi32>
    %eq3A_278 = arith.cmpi eq, %get3A_4, %eq3A_277 : vector<32x64xi32>
    %and3A_279 = arith.andi %and3A, %eq3A_278 : vector<32x64xi1>
    %jit3A_280 = arith.constant 1 : i32
    %jit3A_281 = arith.constant 0 : i32
    %broadcast_in_dim3A_282 = vector.broadcast %jit3A_280 : i32 to vector<32x64xi32>
    %broadcast_in_dim3A_283 = vector.broadcast %jit3A_281 : i32 to vector<32x64xi32>
    %select_n3A_284 = arith.select %and3A_279, %broadcast_in_dim3A_282, %broadcast_in_dim3A_283 : vector<32x64xi1>, vector<32x64xi32>
    %reduce_max3A_285 = arith.constant dense<-2147483648> : vector<32xi32>
    %reduce_max3A_286 = vector.multi_reduction <maxsi>, %select_n3A_284, %reduce_max3A_285 [1] : vector<32x64xi32> to vector<32xi32>
    %broadcast_in_dim3A_287 = vector.shape_cast %reduce_max3A_286 : vector<32xi32> to vector<32x1xi32>
    %eq3A_288 = arith.constant 15 : i32
    %eq3A_289 = vector.broadcast %eq3A_288 : i32 to vector<32x64xi32>
    %eq3A_290 = arith.cmpi eq, %get3A_4, %eq3A_289 : vector<32x64xi32>
    %and3A_291 = arith.andi %and3A, %eq3A_290 : vector<32x64xi1>
    %jit3A_292 = arith.constant 1 : i32
    %jit3A_293 = arith.constant 0 : i32
    %broadcast_in_dim3A_294 = vector.broadcast %jit3A_292 : i32 to vector<32x64xi32>
    %broadcast_in_dim3A_295 = vector.broadcast %jit3A_293 : i32 to vector<32x64xi32>
    %select_n3A_296 = arith.select %and3A_291, %broadcast_in_dim3A_294, %broadcast_in_dim3A_295 : vector<32x64xi1>, vector<32x64xi32>
    %reduce_max3A_297 = arith.constant dense<-2147483648> : vector<32xi32>
    %reduce_max3A_298 = vector.multi_reduction <maxsi>, %select_n3A_296, %reduce_max3A_297 [1] : vector<32x64xi32> to vector<32xi32>
    %broadcast_in_dim3A_299 = vector.shape_cast %reduce_max3A_298 : vector<32xi32> to vector<32x1xi32>
    %concatenate3A = tpu.concatenate %broadcast_in_dim3A_119, %broadcast_in_dim3A_131, %broadcast_in_dim3A_143, %broadcast_in_dim3A_155, %broadcast_in_dim3A_167, %broadcast_in_dim3A_179, %broadcast_in_dim3A_191, %broadcast_in_dim3A_203, %broadcast_in_dim3A_215, %broadcast_in_dim3A_227, %broadcast_in_dim3A_239, %broadcast_in_dim3A_251, %broadcast_in_dim3A_263, %broadcast_in_dim3A_275, %broadcast_in_dim3A_287, %broadcast_in_dim3A_299 in 1 : vector<32x1xi32>, vector<32x1xi32>, vector<32x1xi32>, vector<32x1xi32>, vector<32x1xi32>, vector<32x1xi32>, vector<32x1xi32>, vector<32x1xi32>, vector<32x1xi32>, vector<32x1xi32>, vector<32x1xi32>, vector<32x1xi32>, vector<32x1xi32>, vector<32x1xi32>, vector<32x1xi32>, vector<32x1xi32> -> vector<32x16xi32>
    %sub3A_300 = arith.constant 1 : i32
    %sub3A_301 = vector.broadcast %sub3A_300 : i32 to vector<32x16xi32>
    %sub3A_302 = arith.subi %sub3A_301, %concatenate3A : vector<32x16xi32>
    %convert_element_type3A_303 = arith.sitofp %sub3A_302 : vector<32x16xi32> to vector<32x16xf32>
    %iota3A_304 = tpu.iota {dimensions = array<i32: 0>} : vector<16x16xi32>
    %iota3A_305 = tpu.iota {dimensions = array<i32: 1>} : vector<16x16xi32>
    %le3A_306 = arith.cmpi sle, %iota3A_304, %iota3A_305 : vector<16x16xi32>
    %convert_element_type3A_307 = arith.extui %le3A_306 : vector<16x16xi1> to vector<16x16xi32>
    %convert_element_type3A_308 = arith.sitofp %convert_element_type3A_307 : vector<16x16xi32> to vector<16x16xf32>
    %dot_general3A_309 = arith.constant dense<0.000000e+00> : vector<32x16xf32>
    %dot_general3A_310 = tpu.matmul %convert_element_type3A_303, %convert_element_type3A_308, %dot_general3A_309 {dimension_numbers = #tpu.dot_dimension_numbers<[1], [0], [0], [1], [0, 0, 1, 1], [], []>, transpose_lhs_hint = false} : vector<32x16xf32>, vector<16x16xf32>, vector<32x16xf32> -> vector<32x16xf32>
    %convert_element_type3A_311 = arith.fptosi %dot_general3A_310 : vector<32x16xf32> to vector<32x16xi32>
    %iota3A_312 = tpu.iota {dimensions = array<i32: 1>} : vector<32x16xi32>
    %sub3A_313 = arith.constant 0 : i32
    %sub3A_314 = vector.broadcast %sub3A_313 : i32 to vector<32x1xi32>
    %sub3A_315 = arith.subi %sub3A_314, %broadcast_in_dim3A_42 : vector<32x1xi32>
    %add3A_316 = arith.constant 1 : i32
    %add3A_317 = vector.broadcast %add3A_316 : i32 to vector<32x1xi32>
    %add3A_318 = arith.addi %sub3A_315, %add3A_317 : vector<32x1xi32>
    %gt3A = arith.constant 0.000000e+00 : f32
    %gt3A_319 = vector.broadcast %gt3A : f32 to vector<32x16xf32>
    %gt3A_320 = arith.cmpf ogt, %convert_element_type3A_303, %gt3A_319 : vector<32x16xf32>
    %eq3A_321 = vector.broadcast %add3A_318 : vector<32x1xi32> to vector<32x16xi32>
    %eq3A_322 = arith.cmpi eq, %convert_element_type3A_311, %eq3A_321 : vector<32x16xi32>
    %and3A_323 = arith.andi %gt3A_320, %eq3A_322 : vector<32x16xi1>
    %jit3A_324 = arith.constant 0 : i32
    %broadcast_in_dim3A_325 = vector.broadcast %jit3A_324 : i32 to vector<32x16xi32>
    %select_n3A_326 = arith.select %and3A_323, %iota3A_312, %broadcast_in_dim3A_325 : vector<32x16xi1>, vector<32x16xi32>
    %reduce_sum3A_327 = arith.constant dense<0> : vector<32xi32>
    %reduce_sum3A_328 = vector.multi_reduction <add>, %select_n3A_326, %reduce_sum3A_327 [1] : vector<32x16xi32> to vector<32xi32>
    %broadcast_in_dim3A_329 = vector.shape_cast %reduce_sum3A_328 : vector<32xi32> to vector<32x1xi32>
    %sub3A_330 = arith.constant 1 : i32
    %sub3A_331 = vector.broadcast %sub3A_330 : i32 to vector<32x1xi32>
    %sub3A_332 = arith.subi %sub3A_331, %broadcast_in_dim3A_42 : vector<32x1xi32>
    %add3A_333 = arith.constant 1 : i32
    %add3A_334 = vector.broadcast %add3A_333 : i32 to vector<32x1xi32>
    %add3A_335 = arith.addi %sub3A_332, %add3A_334 : vector<32x1xi32>
    %gt3A_336 = arith.constant 0.000000e+00 : f32
    %gt3A_337 = vector.broadcast %gt3A_336 : f32 to vector<32x16xf32>
    %gt3A_338 = arith.cmpf ogt, %convert_element_type3A_303, %gt3A_337 : vector<32x16xf32>
    %eq3A_339 = vector.broadcast %add3A_335 : vector<32x1xi32> to vector<32x16xi32>
    %eq3A_340 = arith.cmpi eq, %convert_element_type3A_311, %eq3A_339 : vector<32x16xi32>
    %and3A_341 = arith.andi %gt3A_338, %eq3A_340 : vector<32x16xi1>
    %jit3A_342 = arith.constant 0 : i32
    %broadcast_in_dim3A_343 = vector.broadcast %jit3A_342 : i32 to vector<32x16xi32>
    %select_n3A_344 = arith.select %and3A_341, %iota3A_312, %broadcast_in_dim3A_343 : vector<32x16xi1>, vector<32x16xi32>
    %reduce_sum3A_345 = arith.constant dense<0> : vector<32xi32>
    %reduce_sum3A_346 = vector.multi_reduction <add>, %select_n3A_344, %reduce_sum3A_345 [1] : vector<32x16xi32> to vector<32xi32>
    %broadcast_in_dim3A_347 = vector.shape_cast %reduce_sum3A_346 : vector<32xi32> to vector<32x1xi32>
    %sub3A_348 = arith.constant 2 : i32
    %sub3A_349 = vector.broadcast %sub3A_348 : i32 to vector<32x1xi32>
    %sub3A_350 = arith.subi %sub3A_349, %broadcast_in_dim3A_42 : vector<32x1xi32>
    %add3A_351 = arith.constant 1 : i32
    %add3A_352 = vector.broadcast %add3A_351 : i32 to vector<32x1xi32>
    %add3A_353 = arith.addi %sub3A_350, %add3A_352 : vector<32x1xi32>
    %gt3A_354 = arith.constant 0.000000e+00 : f32
    %gt3A_355 = vector.broadcast %gt3A_354 : f32 to vector<32x16xf32>
    %gt3A_356 = arith.cmpf ogt, %convert_element_type3A_303, %gt3A_355 : vector<32x16xf32>
    %eq3A_357 = vector.broadcast %add3A_353 : vector<32x1xi32> to vector<32x16xi32>
    %eq3A_358 = arith.cmpi eq, %convert_element_type3A_311, %eq3A_357 : vector<32x16xi32>
    %and3A_359 = arith.andi %gt3A_356, %eq3A_358 : vector<32x16xi1>
    %jit3A_360 = arith.constant 0 : i32
    %broadcast_in_dim3A_361 = vector.broadcast %jit3A_360 : i32 to vector<32x16xi32>
    %select_n3A_362 = arith.select %and3A_359, %iota3A_312, %broadcast_in_dim3A_361 : vector<32x16xi1>, vector<32x16xi32>
    %reduce_sum3A_363 = arith.constant dense<0> : vector<32xi32>
    %reduce_sum3A_364 = vector.multi_reduction <add>, %select_n3A_362, %reduce_sum3A_363 [1] : vector<32x16xi32> to vector<32xi32>
    %broadcast_in_dim3A_365 = vector.shape_cast %reduce_sum3A_364 : vector<32xi32> to vector<32x1xi32>
    %sub3A_366 = arith.constant 3 : i32
    %sub3A_367 = vector.broadcast %sub3A_366 : i32 to vector<32x1xi32>
    %sub3A_368 = arith.subi %sub3A_367, %broadcast_in_dim3A_42 : vector<32x1xi32>
    %add3A_369 = arith.constant 1 : i32
    %add3A_370 = vector.broadcast %add3A_369 : i32 to vector<32x1xi32>
    %add3A_371 = arith.addi %sub3A_368, %add3A_370 : vector<32x1xi32>
    %gt3A_372 = arith.constant 0.000000e+00 : f32
    %gt3A_373 = vector.broadcast %gt3A_372 : f32 to vector<32x16xf32>
    %gt3A_374 = arith.cmpf ogt, %convert_element_type3A_303, %gt3A_373 : vector<32x16xf32>
    %eq3A_375 = vector.broadcast %add3A_371 : vector<32x1xi32> to vector<32x16xi32>
    %eq3A_376 = arith.cmpi eq, %convert_element_type3A_311, %eq3A_375 : vector<32x16xi32>
    %and3A_377 = arith.andi %gt3A_374, %eq3A_376 : vector<32x16xi1>
    %jit3A_378 = arith.constant 0 : i32
    %broadcast_in_dim3A_379 = vector.broadcast %jit3A_378 : i32 to vector<32x16xi32>
    %select_n3A_380 = arith.select %and3A_377, %iota3A_312, %broadcast_in_dim3A_379 : vector<32x16xi1>, vector<32x16xi32>
    %reduce_sum3A_381 = arith.constant dense<0> : vector<32xi32>
    %reduce_sum3A_382 = vector.multi_reduction <add>, %select_n3A_380, %reduce_sum3A_381 [1] : vector<32x16xi32> to vector<32xi32>
    %broadcast_in_dim3A_383 = vector.shape_cast %reduce_sum3A_382 : vector<32xi32> to vector<32x1xi32>
    %sub3A_384 = arith.constant 4 : i32
    %sub3A_385 = vector.broadcast %sub3A_384 : i32 to vector<32x1xi32>
    %sub3A_386 = arith.subi %sub3A_385, %broadcast_in_dim3A_42 : vector<32x1xi32>
    %add3A_387 = arith.constant 1 : i32
    %add3A_388 = vector.broadcast %add3A_387 : i32 to vector<32x1xi32>
    %add3A_389 = arith.addi %sub3A_386, %add3A_388 : vector<32x1xi32>
    %gt3A_390 = arith.constant 0.000000e+00 : f32
    %gt3A_391 = vector.broadcast %gt3A_390 : f32 to vector<32x16xf32>
    %gt3A_392 = arith.cmpf ogt, %convert_element_type3A_303, %gt3A_391 : vector<32x16xf32>
    %eq3A_393 = vector.broadcast %add3A_389 : vector<32x1xi32> to vector<32x16xi32>
    %eq3A_394 = arith.cmpi eq, %convert_element_type3A_311, %eq3A_393 : vector<32x16xi32>
    %and3A_395 = arith.andi %gt3A_392, %eq3A_394 : vector<32x16xi1>
    %jit3A_396 = arith.constant 0 : i32
    %broadcast_in_dim3A_397 = vector.broadcast %jit3A_396 : i32 to vector<32x16xi32>
    %select_n3A_398 = arith.select %and3A_395, %iota3A_312, %broadcast_in_dim3A_397 : vector<32x16xi1>, vector<32x16xi32>
    %reduce_sum3A_399 = arith.constant dense<0> : vector<32xi32>
    %reduce_sum3A_400 = vector.multi_reduction <add>, %select_n3A_398, %reduce_sum3A_399 [1] : vector<32x16xi32> to vector<32xi32>
    %broadcast_in_dim3A_401 = vector.shape_cast %reduce_sum3A_400 : vector<32xi32> to vector<32x1xi32>
    %sub3A_402 = arith.constant 5 : i32
    %sub3A_403 = vector.broadcast %sub3A_402 : i32 to vector<32x1xi32>
    %sub3A_404 = arith.subi %sub3A_403, %broadcast_in_dim3A_42 : vector<32x1xi32>
    %add3A_405 = arith.constant 1 : i32
    %add3A_406 = vector.broadcast %add3A_405 : i32 to vector<32x1xi32>
    %add3A_407 = arith.addi %sub3A_404, %add3A_406 : vector<32x1xi32>
    %gt3A_408 = arith.constant 0.000000e+00 : f32
    %gt3A_409 = vector.broadcast %gt3A_408 : f32 to vector<32x16xf32>
    %gt3A_410 = arith.cmpf ogt, %convert_element_type3A_303, %gt3A_409 : vector<32x16xf32>
    %eq3A_411 = vector.broadcast %add3A_407 : vector<32x1xi32> to vector<32x16xi32>
    %eq3A_412 = arith.cmpi eq, %convert_element_type3A_311, %eq3A_411 : vector<32x16xi32>
    %and3A_413 = arith.andi %gt3A_410, %eq3A_412 : vector<32x16xi1>
    %jit3A_414 = arith.constant 0 : i32
    %broadcast_in_dim3A_415 = vector.broadcast %jit3A_414 : i32 to vector<32x16xi32>
    %select_n3A_416 = arith.select %and3A_413, %iota3A_312, %broadcast_in_dim3A_415 : vector<32x16xi1>, vector<32x16xi32>
    %reduce_sum3A_417 = arith.constant dense<0> : vector<32xi32>
    %reduce_sum3A_418 = vector.multi_reduction <add>, %select_n3A_416, %reduce_sum3A_417 [1] : vector<32x16xi32> to vector<32xi32>
    %broadcast_in_dim3A_419 = vector.shape_cast %reduce_sum3A_418 : vector<32xi32> to vector<32x1xi32>
    %sub3A_420 = arith.constant 6 : i32
    %sub3A_421 = vector.broadcast %sub3A_420 : i32 to vector<32x1xi32>
    %sub3A_422 = arith.subi %sub3A_421, %broadcast_in_dim3A_42 : vector<32x1xi32>
    %add3A_423 = arith.constant 1 : i32
    %add3A_424 = vector.broadcast %add3A_423 : i32 to vector<32x1xi32>
    %add3A_425 = arith.addi %sub3A_422, %add3A_424 : vector<32x1xi32>
    %gt3A_426 = arith.constant 0.000000e+00 : f32
    %gt3A_427 = vector.broadcast %gt3A_426 : f32 to vector<32x16xf32>
    %gt3A_428 = arith.cmpf ogt, %convert_element_type3A_303, %gt3A_427 : vector<32x16xf32>
    %eq3A_429 = vector.broadcast %add3A_425 : vector<32x1xi32> to vector<32x16xi32>
    %eq3A_430 = arith.cmpi eq, %convert_element_type3A_311, %eq3A_429 : vector<32x16xi32>
    %and3A_431 = arith.andi %gt3A_428, %eq3A_430 : vector<32x16xi1>
    %jit3A_432 = arith.constant 0 : i32
    %broadcast_in_dim3A_433 = vector.broadcast %jit3A_432 : i32 to vector<32x16xi32>
    %select_n3A_434 = arith.select %and3A_431, %iota3A_312, %broadcast_in_dim3A_433 : vector<32x16xi1>, vector<32x16xi32>
    %reduce_sum3A_435 = arith.constant dense<0> : vector<32xi32>
    %reduce_sum3A_436 = vector.multi_reduction <add>, %select_n3A_434, %reduce_sum3A_435 [1] : vector<32x16xi32> to vector<32xi32>
    %broadcast_in_dim3A_437 = vector.shape_cast %reduce_sum3A_436 : vector<32xi32> to vector<32x1xi32>
    %sub3A_438 = arith.constant 7 : i32
    %sub3A_439 = vector.broadcast %sub3A_438 : i32 to vector<32x1xi32>
    %sub3A_440 = arith.subi %sub3A_439, %broadcast_in_dim3A_42 : vector<32x1xi32>
    %add3A_441 = arith.constant 1 : i32
    %add3A_442 = vector.broadcast %add3A_441 : i32 to vector<32x1xi32>
    %add3A_443 = arith.addi %sub3A_440, %add3A_442 : vector<32x1xi32>
    %gt3A_444 = arith.constant 0.000000e+00 : f32
    %gt3A_445 = vector.broadcast %gt3A_444 : f32 to vector<32x16xf32>
    %gt3A_446 = arith.cmpf ogt, %convert_element_type3A_303, %gt3A_445 : vector<32x16xf32>
    %eq3A_447 = vector.broadcast %add3A_443 : vector<32x1xi32> to vector<32x16xi32>
    %eq3A_448 = arith.cmpi eq, %convert_element_type3A_311, %eq3A_447 : vector<32x16xi32>
    %and3A_449 = arith.andi %gt3A_446, %eq3A_448 : vector<32x16xi1>
    %jit3A_450 = arith.constant 0 : i32
    %broadcast_in_dim3A_451 = vector.broadcast %jit3A_450 : i32 to vector<32x16xi32>
    %select_n3A_452 = arith.select %and3A_449, %iota3A_312, %broadcast_in_dim3A_451 : vector<32x16xi1>, vector<32x16xi32>
    %reduce_sum3A_453 = arith.constant dense<0> : vector<32xi32>
    %reduce_sum3A_454 = vector.multi_reduction <add>, %select_n3A_452, %reduce_sum3A_453 [1] : vector<32x16xi32> to vector<32xi32>
    %broadcast_in_dim3A_455 = vector.shape_cast %reduce_sum3A_454 : vector<32xi32> to vector<32x1xi32>
    %concatenate3A_456 = tpu.concatenate %broadcast_in_dim3A_329, %broadcast_in_dim3A_347, %broadcast_in_dim3A_365, %broadcast_in_dim3A_383, %broadcast_in_dim3A_401, %broadcast_in_dim3A_419, %broadcast_in_dim3A_437, %broadcast_in_dim3A_455 in 1 : vector<32x1xi32>, vector<32x1xi32>, vector<32x1xi32>, vector<32x1xi32>, vector<32x1xi32>, vector<32x1xi32>, vector<32x1xi32>, vector<32x1xi32> -> vector<32x8xi32>
    %iota3A_457 = tpu.iota {dimensions = array<i32: 1>} : vector<32x8xi32>
    %lt3A_458 = vector.broadcast %broadcast_in_dim3A_42 : vector<32x1xi32> to vector<32x8xi32>
    %lt3A_459 = arith.cmpi slt, %iota3A_457, %lt3A_458 : vector<32x8xi32>
    %slice3A_460 = vector.extract_strided_slice %get3A_4 {offsets = [0, 0], sizes = [32, 8], strides = [1, 1]} : vector<32x64xi32> to vector<32x8xi32>
    %select_n3A_461 = arith.select %lt3A_459, %slice3A_460, %concatenate3A_456 : vector<32x8xi1>, vector<32x8xi32>
    %swap3A_462 = arith.constant 0 : index
    %swap3A_463 = arith.constant 0 : index
    %swap3A_464 = vector.load %arg6[%swap3A_462, %swap3A_463] : memref<32x8xi32, #tpu.memory_space<vmem>>, vector<32x8xi32>
    tpu.vector_store %arg6[%swap3A_462, %swap3A_463], %select_n3A_461 {strides = array<i32>} : memref<32x8xi32, #tpu.memory_space<vmem>>, vector<32x8xi32>,
    return
  }
}

</mosaic_0001>

<sc_bundles>
// kernel: gather_offload_async_start.1
scs
__scs_entry_jumppad:
0x0: {  	(pc) =	sbr.rel $0x88, $3  }
0x1: {  	(tag) =	ssettag $0x0;
	lr =	simm.s32 $0x1  }
0x2: {  	[smem:$0x3F9D] =	sst lr;
	_ =	strace $0xD0000000  }
0x3: {  	_ = 	snop  }
0x4: {  	_ = 	snop  }
0x5: {  	_ = 	snop  }
0x6: {  	_ = 	snop  }
0x7: {  	_ = 	snop  }
__scs_overlays_trampoline_lowered:
0x8: {  	[smem:$0x3FAC] =	sst s0  }
0x9: {  	[smem:$0x3FAD] =	sst s1  }
0xa: {  	[smem:$0x3FAE] =	sst s2  }
0xb: {  	[smem:$0x3FAF] =	sst s3  }
0xc: {  	[smem:$0x3FB0] =	sst s4  }
0xd: {  	[smem:$0x3FB1] =	sst s5  }
0xe: {  	[smem:$0x3FB2] =	sst s6  }
0xf: {  	[smem:$0x3FB3] =	sst s7  }
0x10: {  	[smem:$0x3FB4] =	sst s8  }
0x11: {  	[smem:$0x3FB5] =	sst s9;
	s0 =	simm.s32 @!p0 $0x0  }
0x12: {  	s1 =	sld [smem:$0x3F9B];
	s0 =	simm.s32 @p0 $0x1  }
0x13: {  	[smem:$0x3FB6] =	sst s0;
	s0 =	simm.s32 @!p1 $0x0  }
0x14: {  	s2 =	sld [smem:$0x3F9A];
	s0 =	simm.s32 @p1 $0x1  }
0x15: {  	[smem:$0x3FB7] =	sst s0;
	s0 =	simm.s32 @!p2 $0x0  }
0x16: {  	s3 =	sld [smem:$0x3FDB];
	s0 =	simm.s32 @p2 $0x1  }
0x17: {  	s4 =	simm.s32 $0x1BF5;
	[smem:$0x3FB9] =	sst s0  }
0x18: {  	s0 =	sld [smem:$0x3F9C];
	_ =	swait.ge [sflag:s4], $0x0  }
0x19: {  	s7 =	sld [smem:$0x3F9D]  }
0x1a: {  	s8 =	sadd.s32 $0xFFFFE003, lr  }
0x1b: {  	s9 =	sadd.s32 $0xFFFFFEF7, lr;
	s5 =	simm.s32 $0xFFFFFFFF;
	p2 =	slt.u32 s8, $0xFFFFF086  }
0x1c: {  	p1 =	slt.u32 s9, $0xF7A;
	s5 =	simm.s32 @!p2 $0x0  }
0x1d: {  	s5 =	simm.s32 @p1 $0x1;
	p0 =	seq.s32 s7, s2  }
0x1e: {  	s7 =	smul.u32 @!p0 $0xF7A, s2;
	p2 =	seq.s32 @!p0 s5, $0x0  }
0x1f: {  	s9 =	smul.u32 $0xF7A, s1;
	s8 =	simm.s32 @!p0 $0x1BF5;
	p2 =	por !p2, p0  }
0x20: {  	[sflag:s8] =	ssyncset.s32 @!p0 $0xFFFFF086;
	s6 =	sadd.s32 @!p0 s3, s7;
	s7 =	simm.s32 @!p0 $0x108  }
0x21: {  	s3 =	sadd.s32 s3, s9;
	s6 =	sadd.s32 @!p0 $0x88, s6;
	s7 =	simm.s32 @p2 $0x1082  }
0x22: {  	[simem:s7], [sflag:s8] =	dma.local @!p0 [hbm:s6], $0xF7A  }
0x23: {  	s9 =	sor.u32 $0xD0000000, s2;
	s6 =	simm.s32 $0x108;
	_ =	swait.ge @!p0 [sflag:s8], $0x0  }
0x24: {  	s3 =	sadd.s32 $0x88, s3;
	s6 =	simm.s32 @!p1 $0x1082;
	[sflag:s4] =	ssyncset.s32 $0xFFFFF086  }
0x25: {  	[simem:s6], [sflag:s4] =	dma.local [hbm:s3], $0xF7A  }
0x26: {  	[smem:$0x3F9D] =	sst s1;
	(tag) =	ssettag s2;
	_ =	strace s9  }
0x27: {  	s1 =	sld [smem:$0x3FAD]  }
0x28: {  	s2 =	sld [smem:$0x3FAE]  }
0x29: {  	s4 =	sld [smem:$0x3FB0]  }
0x2a: {  	p0 =	seq.s32 s5, $0x0;
	s5 =	sld [smem:$0x3FB1]  }
0x2b: {  	s6 =	sld [smem:$0x3FB2]  }
0x2c: {  	s7 =	sld [smem:$0x3FB3]  }
0x2d: {  	s3 =	simm.s32 $0x108;
	s8 =	sld [smem:$0x3FB4]  }
0x2e: {  	s3 =	simm.s32 @!p0 $0x1082;
	s9 =	sld [smem:$0x3FB5]  }
0x2f: {  	lr =	sadd.s32 s0, s3;
	s0 =	sld [smem:$0x3FAC]  }
0x30: {  	s3 =	sld [smem:$0x3FAF]  }
0x31: {  	[smem:$0x3FB8] =	sst s10  }
0x32: {  	s10 =	sld [smem:$0x3FB6];
	_ =	sdelay $0x3  }
0x33: {  	p0 =	seq.s32 s10, $0x1;
	s10 =	sld [smem:$0x3FB8];
	_ =	sdelay $0x3  }
0x34: {  	[smem:$0x3FB8] =	sst s10  }
0x35: {  	s10 =	sld [smem:$0x3FB7];
	_ =	sdelay $0x3  }
0x36: {  	p1 =	seq.s32 s10, $0x1;
	s10 =	sld [smem:$0x3FB8];
	_ =	sdelay $0x3  }
0x37: {  	[smem:$0x3FB8] =	sst s10  }
0x38: {  	s10 =	sld [smem:$0x3FB9]  }
0x39: {  	_ = 	snop;
	(pc) =	sbr.ind lr, $3  }
0x3a: {  	_ = 	snop  }
0x3b: {  	_ = 	snop  }
0x3c: {  	p2 =	seq.s32 s10, $0x1;
	s10 =	sld [smem:$0x3FB8]  }
0x3d: {  	_ =	shalt  }
0x3e: {  	_ =	shalt  }
0x3f: {  	_ =	shalt  }
0x40: {  	_ =	shalt  }
0x41: {  	_ =	shalt  }
0x42: {  	_ =	shalt  }
0x43: {  	_ =	shalt  }
0x44: {  	_ =	shalt  }
0x45: {  	_ =	shalt  }
0x46: {  	_ =	shalt  }
0x47: {  	_ =	shalt  }
0x48: {  	_ =	shalt  }
0x49: {  	_ =	shalt  }
0x4a: {  	_ =	shalt  }
0x4b: {  	_ =	shalt  }
0x4c: {  	_ =	shalt  }
0x4d: {  	_ =	shalt  }
0x4e: {  	_ =	shalt  }
0x4f: {  	_ =	shalt  }
0x50: {  	_ =	shalt  }
0x51: {  	_ =	shalt  }
0x52: {  	_ =	shalt  }
0x53: {  	_ =	shalt  }
0x54: {  	_ =	shalt  }
0x55: {  	_ =	shalt  }
0x56: {  	_ =	shalt  }
0x57: {  	_ =	shalt  }
0x58: {  	_ =	shalt  }
0x59: {  	_ =	shalt  }
0x5a: {  	_ =	shalt  }
0x5b: {  	_ =	shalt  }
0x5c: {  	_ =	shalt  }
0x5d: {  	_ =	shalt  }
0x5e: {  	_ =	shalt  }
0x5f: {  	_ =	shalt  }
0x60: {  	_ =	shalt  }
0x61: {  	_ =	shalt  }
0x62: {  	_ =	shalt  }
0x63: {  	_ =	shalt  }
0x64: {  	_ =	shalt  }
0x65: {  	_ =	shalt  }
0x66: {  	_ =	shalt  }
0x67: {  	_ =	shalt  }
0x68: {  	_ =	shalt  }
0x69: {  	_ =	shalt  }
0x6a: {  	_ =	shalt  }
0x6b: {  	_ =	shalt  }
0x6c: {  	_ =	shalt  }
0x6d: {  	_ =	shalt  }
0x6e: {  	_ =	shalt  }
0x6f: {  	_ =	shalt  }
0x70: {  	_ =	shalt  }
0x71: {  	_ =	shalt  }
0x72: {  	_ =	shalt  }
0x73: {  	_ =	shalt  }
0x74: {  	_ =	shalt  }
0x75: {  	_ =	shalt  }
0x76: {  	_ =	shalt  }
0x77: {  	_ =	shalt  }
0x78: {  	_ =	shalt  }
0x79: {  	_ =	shalt  }
0x7a: {  	_ =	shalt  }
0x7b: {  	_ =	shalt  }
0x7c: {  	_ =	shalt  }
0x7d: {  	_ =	shalt  }
0x7e: {  	_ =	shalt  }
0x7f: {  	_ =	shalt  }
0x80: {  	_ =	shalt  }
0x81: {  	_ =	shalt  }
0x82: {  	_ =	shalt  }
0x83: {  	_ =	shalt  }
0x84: {  	_ =	shalt  }
0x85: {  	_ =	shalt  }
0x86: {  	_ =	shalt  }
0x87: {  	_ =	shalt  }
.Lfunc_end0:
.L_simem_size_0:
called_computation.1_lowered:
.L_overlay_start_0:
0x88: {  	s2 =	sld [smem:$0x3FD9]  }
0x89: {  	s3 =	sld [smem:$0x3FFE];
	_ =	sdelay $0x1  }
0x8a: {  	s1 =	srdreg.scid  }
0x8b: {  	s0 =	sand.u32 $0x1, s1  }
0x8c: {  	s17 =	sshll.u32 s0, $0xA;
	s2 =	sadd.s32 s3, s2  }
0x8d: {  	s2 =	sadd.s32 s2, s17  }
0x8e: {  	[smem:$0x3FC4] =	sst s2  }
0x8f: {  	_ = 	snop  }
0x90: {  	s2 =	sld [smem:$0x3FC6];
	(tm) =	ssettm $0x1  }
0x91: {  	s18 =	sld [smem:$0x3FFB];
	_ =	sdelay $0x3  }
0x92: {  	_ =	strace s18  }
0x93: {  	s3 =	sld [smem:$0x3FFC];
	_ =	sdelay $0x3  }
0x94: {  	_ =	strace s3  }
0x95: {  	s3 =	sld [smem:$0x3FFD];
	_ =	sdelay $0x3  }
0x96: {  	_ =	strace s3  }
0x97: {  	_ =	strace $0x8FFFFFFF  }
0x98: {  	s19 =	sld [smem:$0x3FDB];
	_ =	sdelay $0x1  }
0x99: {  	s4 =	simm.s32 $_scs_section_size  }
0x9a: {  	s5 =	simm.s32 $_size__tile_overlayer_lowered;
	s6 =	simm.s32 $_tile_overlayer_lowered  }
0x9b: {  	s22 =	simm.s32 $0x1BFF;
	s21 =	sshll.u32 s6, $0x1;
	s3 =	sadd.s32 s4, s19  }
0x9c: {  	s7 =	simm.s32 $0x0;
	s20 =	sshll.u32 s5, $0x1;
	s5 =	sadd.s32 s21, s3  }
0x9d: {  	[timem:s7], [sflag:s22] =	dma.local [hbm:s5], s20  }
0x9e: {  	_ =	swait.ge [sflag:s22], s20  }
0x9f: {  	s4 =	ssub.s32 $0x0, s20;
	[sflag:s22] =	ssyncset.done $0x0  }
0xa0: {  	[sflag:s22] =	ssyncadd.s32 s4;
	_ =	sdelay $0x1  }
0xa1: {  	s23 =	simm.s32 $0x1B8B  }
0xa2: {  	_ =	swait.ge [sflag:s23], $0x1  }
0xa3: {  	[sflag:s23] =	ssyncset.done $0x0  }
0xa4: {  	s25 =	simm.s32 $0x1B8E;
	s24 =	sld [smem:$0x3FFE];
	[sflag:s23] =	ssyncadd.s32 $0xFFFFFFFF  }
0xa5: {  	s26 =	simm.s32 $execute0_lowered;
	[smem:$0x3FD2] =	sst s25  }
0xa6: {  	s5 =	sshll.u32 s26, $0x1;
	_ =	strace $0x80000049;
	[dreg:$0x1] =	wrdreg $0xFFFFFFFF  }
0xa7: {  	s28 =	simm.s32 $_size_execute0_lowered;
	s3 =	sadd.s32 s3, s5;
	[dreg:$0x0] =	wrdreg $0x0  }
0xa8: {  	s5 =	sshll.u32 s28, $0x1;
	[dreg:$0x2] =	wrdreg s3  }
0xa9: {  	[dreg:$0x3] =	wrdreg s5  }
0xaa: {  	[dreg:$0x4] =	wrdreg $0xC0  }
0xab: {  	_ =	task [dreg:s7], $0x5FFFF  }
0xac: {  	[dreg:$0x1] =	wrdreg $0xFFFFFFFF  }
0xad: {  	[dreg:$0x0] =	wrdreg $0x60  }
0xae: {  	[dreg:$0x2] =	wrdreg s2  }
0xaf: {  	[dreg:$0x3] =	wrdreg s24  }
0xb0: {  	[dreg:$0x4] =	wrdreg $0x9  }
0xb1: {  	_ =	task.clear_ibuf [dreg:s7], $0x5FFFF;
	_ =	strace $0x90000049  }
0xb2: {  	s29 =	simm.s32 $0x9;
	_ =	strace $0x8000004B  }
0xb3: {  	_ =	swait.ge [sflag:s29], $0x1  }
0xb4: {  	[sflag:s29] =	ssyncadd.s32 $0xFFFFFFFF  }
0xb5: {  	_ =	strace $0x9000004B  }
0xb6: {  	_ =	sfence  }
0xb7: {  	s30 =	sld [smem:$0x0];
	_ =	sdelay $0x2  }
0xb8: {  	s31 =	sshll.u32 s1, $0xD;
	s1 =	sshrl.u32 s1, $0x2  }
0xb9: {  	s3 =	sand.u32 $0x4000, s31;
	s1 =	sadd.s32 s1, s30  }
0xba: {  	s0 =	sor.u32 s3, s0;
	s1 =	sshll.u32 s1, $0x11  }
0xbb: {  	s0 =	sor.u32 s1, s0  }
0xbc: {  	s0 =	sadd.s32 $0x8F2B, s0  }
0xbd: {  	[sflag:s0] =	ssyncadd.remote.s32 $0x1  }
0xbe: {  	_ =	sfence.sel $0xFFFF  }
0xbf: {  	[dreg:$0x0] =	wrdreg $0xFFFFFFFF;
	(pc) =	sbr.abs _section_cstart, $3  }
0xc0: {  	[dreg:$0x1] =	wrdreg $0xFFFFFFFF  }
0xc1: {  	_ =	task.clear_ibuf [dreg:s7], $0x2FFFF;
	_ =	strace $0x9FFFFFFF  }
0xc2: {  	(tm) =	ssettm $0x7FFFFFFF  }
0xc3: {  	_ =	shalt  }
tec
execute0_lowered:
.L_overlay_start_1:
0x0: {  	(tag) =	ssettag $0x1  }
0x1: {  	s1 =	srdreg.scid;
	s2 =	rddreg [dreg:$0x0]  }
0x2: {  	s0 =	stileid.u32;
	s8 =	rddreg [dreg:$0x1]  }
0x3: {  	s5 =	simm.s32 $0x1;
	s9 =	simm.s32 $0x1;
	s1 =	sshll.u32 s1, $0x5  }
0x4: {  	s10 =	simm.s32 $0x3;
	s3 =	sshll.u32 s0, $0x6;
	s4 =	sand.u32 $0x20, s1  }
0x5: {  	s13 =	simm.s32 $0x0;
	s12 =	simm.s32 $0x0;
	s3 =	sor.u32 s3, s4  }
0x6: {  	s1 =	rddreg [dreg:$0x2];
	_ =	strace $0x8000004A;
	s7 =	ssub.s32 $0x800, s3  }
.Ltmp0:
0x7: {  	s4 =	sadd.s32 $0x800, s8;
	s6 =	sand.u32 $0x3E0, s7;
	(pc) =	sbr.rel .LBB2_1-.Ltmp0, $4  }
0x8: {  	[sflag:s5] =	ssyncpa.u1 $0x0;
	s8 =	sadd.s32 $0xA00, s8;
	p0 =	sne.s32 s6, $0x0  }
0x9: {  	s7 =	sshrl.u32 s7, $0xA;
	s6 =	simm.s32 $0x2;
	s9 =	simm.s32 @!p0 $0x0  }
0xa: {  	s11 =	smov.u32 s3;
	[sflag:s6] =	ssyncpa.u1 $0x0;
	s7 =	sadd.s32 s9, s7  }
0xb: {  	vm0 =	vmmov $0xffff;
	[sflag:s10] =	ssyncpa.u1 $0x0;
	s10 =	simm.s32 $0x0;
	s9 =	sadd.s32 $0x1, s7  }
.LBB2_5:
0xc: {  	s15 =	sadd.s32 $0x400, s11  }
0xd: {  	p1 =	sgt.s32 s15, $0x7FF  }
0xe: {  	s15 =	smov.u32 @p1 s3;
	p1 =	sne.s32 s12, s9  }
.Ltmp1:
0xf: {  	p0 =	slt.u32 s12, $0x2;
	(pc) =	sbr.rel @!p1 .LBB2_6-.Ltmp1, $4  }
0x10: {  	s14 =	simm.s32 @!p0 $0x3  }
0x11: {  	_ =	swait.ge @!p0 [sflag:s14], $0x20  }
0x12: {  	s16 =	sadd.s32 $0x1, s12;
	s13 =	smov.u32 s11;
	[sflag:s14] =	ssyncset.done @!p0 $0x0  }
0x13: {  	s12 =	smov.u32 s16;
	s11 =	smov.u32 s15;
	[sflag:s14] =	ssyncadd.s32 @!p0 $0xFFFFFFE0  }
.LBB2_1:
0x14: {  	p0 =	sge.u32 s12, s7  }
0x15: {  	s14 =	sxor.u32 @!p0 $0xFFFFFFFF, s12  }
0x16: {  	s31 =	sadd.s32 $0xFFFFFFFF, s12;
	s15 =	sshrl.u32 @!p0 s11, $0x3;
	s14 =	sshll.u32 @!p0 s14, $0x5  }
0x17: {  	s16 =	sand.u32 @!p0 $0x7, s11;
	s15 =	sadd.s32 @!p0 s4, s15;
	s14 =	sand.u32 @!p0 $0x20, s14  }
0x18: {  	[tilespmem:s14], [sflag:$0x2] =	stream.linear.gather @!p0 [hbm4b:s15+s16], $0x20, $0x38;
	[tilespmem:$0x80] =	vst v63  }
0x19: {  	p0 =	sge.u32 s31, s7  }
.Ltmp2:
0x1a: {  	_ = 	snop;
	(pc) =	sbr.rel @p0 .LBB2_5-.Ltmp2, $1  }
0x1b: {  	_ =	sdelay $0x3  }
0x1c: {  	_ =	swait.ge [sflag:s6], $0x20;
	s14 =	sshll.u32 s12, $0x5;
	s16 =	simm.s32 $0x0  }
0x1d: {  	p0 =	por $0x1, $0x1;
	[sflag:s6] =	ssyncset.done $0x0;
	s15 =	sand.u32 $0x20, s14  }
0x1e: {  	[sflag:s6] =	ssyncadd.s32 $0xFFFFFFE0;
	(ifvalue) =	ssetifvalue $0x7FFFFFFF;
	s14 =	sor.u32 $0x40, s15  }
.LBB2_3:
0x1f: {  	s17 =	sadd.s32 s16, s15  }
0x20: {  	v0 =	vld.msk [tilespmem:s17+$0x0 ss:$0x1], $0xffff;
	_ =	sdelay $0x4  }
0x21: {  	vm1 =	veq.s32 v0, $0x80000000;
	v1 =	vand.u32 $0x1F, v0;
	v0 =	vshrl.u32 v0, $0x5  }
0x22: {  	v1 =	vsel vm1, $0xFFFFFFFF, v1;
	v0 =	vand.u32 $0xFFFFF, v0  }
0x23: {  	v0 =	vsel vm1, $0xFFFFFFFF, v0;
	v2 =	vshrl.u32 v1, $0x3  }
0x24: {  	v2 =	vmul.u32 $0x7A1400, v2;
	v3 =	vshll.u32 v0, $0x3  }
0x25: {  	v1 =	vshll.u32 v1, $0x7;
	v3 =	vand.u32 $0xFFFFFC00, v3  }
0x26: {  	v1 =	vand.u32 $0x380, v1;
	v2 =	vadd.s32 v2, v3  }
0x27: {  	v0 =	vand.u32 $0x7F, v0;
	v1 =	vor.u32 v1, v2  }
0x28: {  	p1 =	por p0, p0;
	v0 =	vor.u32 v0, v1  }
.Ltmp3:
0x29: {  	_ = 	snop;
	(pc) =	sbr.rel @p1 .LBB2_3-.Ltmp3, $4  }
0x2a: {  	_ = 	snop  }
0x2b: {  	s31 =	sadd.s32 s16, s14  }
0x2c: {  	s16 =	simm.s32 $0x10;
	p0 =	por $0x0, $0x0;
	(ifvalue) =	ssetifvalue $0x7FFFFFFF  }
0x2d: {  	[tilespmem:s31], [sflag:$0x1] =	stream.indirect_vreg.gather [hbm4b:s2+s10], $0x1, v0, vm0, $0x4038;
	[tilespmem:$0x80] =	vst v63  }
.Ltmp4:
0x2e: {  	(pc) =	sbr.rel .LBB2_5-.Ltmp4, $4  }
0x2f: {  	_ =	swait.ge [sflag:s5], $0x20  }
0x30: {  	s15 =	sshrl.u32 s13, $0x3;
	[sflag:s5] =	ssyncset.done $0x0  }
0x31: {  	s31 =	sand.u32 $0x7, s13;
	s15 =	sadd.s32 s8, s15;
	[sflag:s5] =	ssyncadd.s32 $0xFFFFFFE0  }
0x32: {  	[hbm4b:s15+s31] =	stream.linear.scatter [tilespmem:s14], [sflag:$0x3], $0x20, $0x38;
	[tilespmem:$0x80] =	vst v63  }
.LBB2_6:
0x33: {  	_ =	sfence.sel $0x180000  }
0x34: {  	s2 =	simm.s32 $0x2;
	[bflag:$0x0] =	sbarrier.arrive $0xFFFF  }
0x35: {  	s30 =	simm.s32 $0x3;
	[sflag:s2] =	ssyncpa.u1 $0x1  }
0x36: {  	s31 =	simm.s32 $0x1;
	[sflag:s30] =	ssyncpa.u1 $0x1  }
0x37: {  	[sflag:s31] =	ssyncpa.u1 $0x1  }
0x38: {  	p0 =	sne.s32 s0, $0x0;
	_ =	strace $0x9000004A  }
0x39: {  	s0 =	sadd.s32 @!p0 $0x100000, s1;
	[bflag:$0x2] =	sbarrier.arrive $0xFFFF  }
0x3a: {  	[sflag:s0] =	ssyncadd.tile.s32 @!p0 $0x1;
	_ =	shalt  }
.Lfunc_end2:
_tile_overlayer_lowered:
.L_overlay_start_2:
0x3b: {  	(tag) =	ssettag $0x2  }
0x3c: {  	s0 =	rddreg [dreg:$0x0];
	s2 =	stileid.u32  }
0x3d: {  	s1 =	rddreg [dreg:$0x1];
	p0 =	sne.s32 s2, $0x0  }
0x3e: {  	s3 =	rddreg [dreg:$0x2];
	[bflag:$0x3] =	sbarrier.arrive $0xFFFF;
	s2 =	simm.s32 @!p0 $0x1C01  }
0x3f: {  	[timem:s3], [sflag:s2] =	dma.local @!p0 [hbm:s0], s1  }
0x40: {  	s0 =	simm.s32 @!p0 $0x1  }
0x41: {  	_ =	swait.ge @!p0 [sflag:s0], s1  }
0x42: {  	s1 =	ssub.s32 @!p0 $0x0, s1;
	[sflag:s0] =	ssyncset.done @!p0 $0x0  }
0x43: {  	[sflag:s0] =	ssyncadd.s32 @!p0 s1  }
0x44: {  	[bflag:$0x3] =	sbarrier.arrive $0xFFFF  }
0x45: {  	_ =	shalt  }

// kernel: gather_offload_async_start
scs
__scs_entry_jumppad:
0x0: {  	(pc) =	sbr.rel $0x88, $3  }
0x1: {  	(tag) =	ssettag $0x0;
	lr =	simm.s32 $0x1  }
0x2: {  	[smem:$0x3F9D] =	sst lr;
	_ =	strace $0xD0000000  }
0x3: {  	_ = 	snop  }
0x4: {  	_ = 	snop  }
0x5: {  	_ = 	snop  }
0x6: {  	_ = 	snop  }
0x7: {  	_ = 	snop  }
__scs_overlays_trampoline_lowered:
0x8: {  	[smem:$0x3FAC] =	sst s0  }
0x9: {  	[smem:$0x3FAD] =	sst s1  }
0xa: {  	[smem:$0x3FAE] =	sst s2  }
0xb: {  	[smem:$0x3FAF] =	sst s3  }
0xc: {  	[smem:$0x3FB0] =	sst s4  }
0xd: {  	[smem:$0x3FB1] =	sst s5  }
0xe: {  	[smem:$0x3FB2] =	sst s6  }
0xf: {  	[smem:$0x3FB3] =	sst s7  }
0x10: {  	[smem:$0x3FB4] =	sst s8  }
0x11: {  	[smem:$0x3FB5] =	sst s9;
	s0 =	simm.s32 @!p0 $0x0  }
0x12: {  	s1 =	sld [smem:$0x3F9B];
	s0 =	simm.s32 @p0 $0x1  }
0x13: {  	[smem:$0x3FB6] =	sst s0;
	s0 =	simm.s32 @!p1 $0x0  }
0x14: {  	s2 =	sld [smem:$0x3F9A];
	s0 =	simm.s32 @p1 $0x1  }
0x15: {  	[smem:$0x3FB7] =	sst s0;
	s0 =	simm.s32 @!p2 $0x0  }
0x16: {  	s3 =	sld [smem:$0x3FDB];
	s0 =	simm.s32 @p2 $0x1  }
0x17: {  	s4 =	simm.s32 $0x1BF5;
	[smem:$0x3FB9] =	sst s0  }
0x18: {  	s0 =	sld [smem:$0x3F9C];
	_ =	swait.ge [sflag:s4], $0x0  }
0x19: {  	s7 =	sld [smem:$0x3F9D]  }
0x1a: {  	s8 =	sadd.s32 $0xFFFFE003, lr  }
0x1b: {  	s9 =	sadd.s32 $0xFFFFFEF7, lr;
	s5 =	simm.s32 $0xFFFFFFFF;
	p2 =	slt.u32 s8, $0xFFFFF086  }
0x1c: {  	p1 =	slt.u32 s9, $0xF7A;
	s5 =	simm.s32 @!p2 $0x0  }
0x1d: {  	s5 =	simm.s32 @p1 $0x1;
	p0 =	seq.s32 s7, s2  }
0x1e: {  	s7 =	smul.u32 @!p0 $0xF7A, s2;
	p2 =	seq.s32 @!p0 s5, $0x0  }
0x1f: {  	s9 =	smul.u32 $0xF7A, s1;
	s8 =	simm.s32 @!p0 $0x1BF5;
	p2 =	por !p2, p0  }
0x20: {  	[sflag:s8] =	ssyncset.s32 @!p0 $0xFFFFF086;
	s6 =	sadd.s32 @!p0 s3, s7;
	s7 =	simm.s32 @!p0 $0x108  }
0x21: {  	s3 =	sadd.s32 s3, s9;
	s6 =	sadd.s32 @!p0 $0x88, s6;
	s7 =	simm.s32 @p2 $0x1082  }
0x22: {  	[simem:s7], [sflag:s8] =	dma.local @!p0 [hbm:s6], $0xF7A  }
0x23: {  	s9 =	sor.u32 $0xD0000000, s2;
	s6 =	simm.s32 $0x108;
	_ =	swait.ge @!p0 [sflag:s8], $0x0  }
0x24: {  	s3 =	sadd.s32 $0x88, s3;
	s6 =	simm.s32 @!p1 $0x1082;
	[sflag:s4] =	ssyncset.s32 $0xFFFFF086  }
0x25: {  	[simem:s6], [sflag:s4] =	dma.local [hbm:s3], $0xF7A  }
0x26: {  	[smem:$0x3F9D] =	sst s1;
	(tag) =	ssettag s2;
	_ =	strace s9  }
0x27: {  	s1 =	sld [smem:$0x3FAD]  }
0x28: {  	s2 =	sld [smem:$0x3FAE]  }
0x29: {  	s4 =	sld [smem:$0x3FB0]  }
0x2a: {  	p0 =	seq.s32 s5, $0x0;
	s5 =	sld [smem:$0x3FB1]  }
0x2b: {  	s6 =	sld [smem:$0x3FB2]  }
0x2c: {  	s7 =	sld [smem:$0x3FB3]  }
0x2d: {  	s3 =	simm.s32 $0x108;
	s8 =	sld [smem:$0x3FB4]  }
0x2e: {  	s3 =	simm.s32 @!p0 $0x1082;
	s9 =	sld [smem:$0x3FB5]  }
0x2f: {  	lr =	sadd.s32 s0, s3;
	s0 =	sld [smem:$0x3FAC]  }
0x30: {  	s3 =	sld [smem:$0x3FAF]  }
0x31: {  	[smem:$0x3FB8] =	sst s10  }
0x32: {  	s10 =	sld [smem:$0x3FB6];
	_ =	sdelay $0x3  }
0x33: {  	p0 =	seq.s32 s10, $0x1;
	s10 =	sld [smem:$0x3FB8];
	_ =	sdelay $0x3  }
0x34: {  	[smem:$0x3FB8] =	sst s10  }
0x35: {  	s10 =	sld [smem:$0x3FB7];
	_ =	sdelay $0x3  }
0x36: {  	p1 =	seq.s32 s10, $0x1;
	s10 =	sld [smem:$0x3FB8];
	_ =	sdelay $0x3  }
0x37: {  	[smem:$0x3FB8] =	sst s10  }
0x38: {  	s10 =	sld [smem:$0x3FB9]  }
0x39: {  	_ = 	snop;
	(pc) =	sbr.ind lr, $3  }
0x3a: {  	_ = 	snop  }
0x3b: {  	_ = 	snop  }
0x3c: {  	p2 =	seq.s32 s10, $0x1;
	s10 =	sld [smem:$0x3FB8]  }
0x3d: {  	_ =	shalt  }
0x3e: {  	_ =	shalt  }
0x3f: {  	_ =	shalt  }
0x40: {  	_ =	shalt  }
0x41: {  	_ =	shalt  }
0x42: {  	_ =	shalt  }
0x43: {  	_ =	shalt  }
0x44: {  	_ =	shalt  }
0x45: {  	_ =	shalt  }
0x46: {  	_ =	shalt  }
0x47: {  	_ =	shalt  }
0x48: {  	_ =	shalt  }
0x49: {  	_ =	shalt  }
0x4a: {  	_ =	shalt  }
0x4b: {  	_ =	shalt  }
0x4c: {  	_ =	shalt  }
0x4d: {  	_ =	shalt  }
0x4e: {  	_ =	shalt  }
0x4f: {  	_ =	shalt  }
0x50: {  	_ =	shalt  }
0x51: {  	_ =	shalt  }
0x52: {  	_ =	shalt  }
0x53: {  	_ =	shalt  }
0x54: {  	_ =	shalt  }
0x55: {  	_ =	shalt  }
0x56: {  	_ =	shalt  }
0x57: {  	_ =	shalt  }
0x58: {  	_ =	shalt  }
0x59: {  	_ =	shalt  }
0x5a: {  	_ =	shalt  }
0x5b: {  	_ =	shalt  }
0x5c: {  	_ =	shalt  }
0x5d: {  	_ =	shalt  }
0x5e: {  	_ =	shalt  }
0x5f: {  	_ =	shalt  }
0x60: {  	_ =	shalt  }
0x61: {  	_ =	shalt  }
0x62: {  	_ =	shalt  }
0x63: {  	_ =	shalt  }
0x64: {  	_ =	shalt  }
0x65: {  	_ =	shalt  }
0x66: {  	_ =	shalt  }
0x67: {  	_ =	shalt  }
0x68: {  	_ =	shalt  }
0x69: {  	_ =	shalt  }
0x6a: {  	_ =	shalt  }
0x6b: {  	_ =	shalt  }
0x6c: {  	_ =	shalt  }
0x6d: {  	_ =	shalt  }
0x6e: {  	_ =	shalt  }
0x6f: {  	_ =	shalt  }
0x70: {  	_ =	shalt  }
0x71: {  	_ =	shalt  }
0x72: {  	_ =	shalt  }
0x73: {  	_ =	shalt  }
0x74: {  	_ =	shalt  }
0x75: {  	_ =	shalt  }
0x76: {  	_ =	shalt  }
0x77: {  	_ =	shalt  }
0x78: {  	_ =	shalt  }
0x79: {  	_ =	shalt  }
0x7a: {  	_ =	shalt  }
0x7b: {  	_ =	shalt  }
0x7c: {  	_ =	shalt  }
0x7d: {  	_ =	shalt  }
0x7e: {  	_ =	shalt  }
0x7f: {  	_ =	shalt  }
0x80: {  	_ =	shalt  }
0x81: {  	_ =	shalt  }
0x82: {  	_ =	shalt  }
0x83: {  	_ =	shalt  }
0x84: {  	_ =	shalt  }
0x85: {  	_ =	shalt  }
0x86: {  	_ =	shalt  }
0x87: {  	_ =	shalt  }
.Lfunc_end0:
.L_simem_size_0:
called_computation_lowered:
.L_overlay_start_0:
0x88: {  	s2 =	sld [smem:$0x3FD9]  }
0x89: {  	s3 =	sld [smem:$0x3FFE];
	_ =	sdelay $0x1  }
0x8a: {  	s1 =	srdreg.scid  }
0x8b: {  	s0 =	sand.u32 $0x1, s1  }
0x8c: {  	s16 =	sshll.u32 s0, $0xA;
	s2 =	sadd.s32 s3, s2  }
0x8d: {  	s2 =	sadd.s32 s2, s16  }
0x8e: {  	[smem:$0x3FC4] =	sst s2  }
0x8f: {  	_ = 	snop  }
0x90: {  	(tm) =	ssettm $0x1  }
0x91: {  	s17 =	sld [smem:$0x3FFB];
	_ =	sdelay $0x3  }
0x92: {  	_ =	strace s17  }
0x93: {  	s2 =	sld [smem:$0x3FFC];
	_ =	sdelay $0x3  }
0x94: {  	_ =	strace s2  }
0x95: {  	s2 =	sld [smem:$0x3FFD];
	_ =	sdelay $0x3  }
0x96: {  	_ =	strace s2  }
0x97: {  	_ =	strace $0x8FFFFFFF  }
0x98: {  	s18 =	sld [smem:$0x3FDB];
	_ =	sdelay $0x1  }
0x99: {  	s19 =	simm.s32 $_scs_section_size  }
0x9a: {  	s4 =	simm.s32 $_size__tile_overlayer_lowered;
	s5 =	simm.s32 $_tile_overlayer_lowered  }
0x9b: {  	s22 =	simm.s32 $0x1BFF;
	s21 =	sshll.u32 s5, $0x1;
	s2 =	sadd.s32 s19, s18  }
0x9c: {  	s6 =	simm.s32 $0x0;
	s20 =	sshll.u32 s4, $0x1;
	s4 =	sadd.s32 s21, s2  }
0x9d: {  	[timem:s6], [sflag:s22] =	dma.local [hbm:s4], s20  }
0x9e: {  	_ =	swait.ge [sflag:s22], s20  }
0x9f: {  	s3 =	ssub.s32 $0x0, s20;
	[sflag:s22] =	ssyncset.done $0x0  }
0xa0: {  	[sflag:s22] =	ssyncadd.s32 s3;
	_ =	sdelay $0x1  }
0xa1: {  	s23 =	simm.s32 $0x1B8B  }
0xa2: {  	_ =	swait.ge [sflag:s23], $0x1  }
0xa3: {  	[sflag:s23] =	ssyncset.done $0x0  }
0xa4: {  	s25 =	simm.s32 $0x1B8E;
	s24 =	sld [smem:$0x3FFE];
	[sflag:s23] =	ssyncadd.s32 $0xFFFFFFFF  }
0xa5: {  	s26 =	simm.s32 $execute0_lowered;
	[smem:$0x3FD2] =	sst s25  }
0xa6: {  	s4 =	sshll.u32 s26, $0x1;
	_ =	strace $0x80000046;
	[dreg:$0x1] =	wrdreg $0xFFFFFFFF  }
0xa7: {  	s28 =	simm.s32 $_size_execute0_lowered;
	s2 =	sadd.s32 s2, s4;
	[dreg:$0x0] =	wrdreg $0x0  }
0xa8: {  	s4 =	sshll.u32 s28, $0x1;
	[dreg:$0x2] =	wrdreg s2  }
0xa9: {  	[dreg:$0x3] =	wrdreg s4  }
0xaa: {  	[dreg:$0x4] =	wrdreg $0xC0  }
0xab: {  	_ =	task [dreg:s6], $0x5FFFF  }
0xac: {  	[dreg:$0x1] =	wrdreg $0xFFFFFFFF  }
0xad: {  	[dreg:$0x0] =	wrdreg $0x60  }
0xae: {  	[dreg:$0x2] =	wrdreg s24  }
0xaf: {  	[dreg:$0x3] =	wrdreg $0x9  }
0xb0: {  	_ =	task.clear_ibuf [dreg:s6], $0x4FFFF;
	_ =	strace $0x90000046  }
0xb1: {  	s29 =	simm.s32 $0x9;
	_ =	strace $0x80000048  }
0xb2: {  	_ =	swait.ge [sflag:s29], $0x1  }
0xb3: {  	[sflag:s29] =	ssyncadd.s32 $0xFFFFFFFF  }
0xb4: {  	_ =	strace $0x90000048  }
0xb5: {  	_ =	sfence  }
0xb6: {  	s30 =	sld [smem:$0x0];
	_ =	sdelay $0x2  }
0xb7: {  	s31 =	sshll.u32 s1, $0xD;
	s1 =	sshrl.u32 s1, $0x2  }
0xb8: {  	s3 =	sand.u32 $0x4000, s31;
	s1 =	sadd.s32 s1, s30  }
0xb9: {  	s0 =	sor.u32 s3, s0;
	s1 =	sshll.u32 s1, $0x11  }
0xba: {  	s0 =	sor.u32 s1, s0  }
0xbb: {  	s0 =	sadd.s32 $0x8F2B, s0  }
0xbc: {  	[sflag:s0] =	ssyncadd.remote.s32 $0x1  }
0xbd: {  	_ =	sfence.sel $0xFFFF  }
0xbe: {  	[dreg:$0x0] =	wrdreg $0xFFFFFFFF;
	(pc) =	sbr.abs _section_cstart, $3  }
0xbf: {  	[dreg:$0x1] =	wrdreg $0xFFFFFFFF  }
0xc0: {  	_ =	task.clear_ibuf [dreg:s6], $0x2FFFF;
	_ =	strace $0x9FFFFFFF  }
0xc1: {  	(tm) =	ssettm $0x7FFFFFFF  }
tec
execute0_lowered:
.L_overlay_start_1:
0x0: {  	(tag) =	ssettag $0x1  }
0x1: {  	s0 =	srdreg.scid  }
0x2: {  	s1 =	sshll.u32 s0, $0x4  }
0x3: {  	s0 =	stileid.u32;
	s1 =	sand.u32 $0x10, s1  }
0x4: {  	s1 =	sor.u32 s0, s1  }
0x5: {  	s9 =	rddreg [dreg:$0x0];
	s6 =	simm.s32 $0x1;
	s2 =	smin.u32 s1, $0x8  }
0x6: {  	p0 =	slt.u32 s1, $0x8;
	s2 =	sadd.s32 s1, s2;
	s1 =	simm.s32 $0x80  }
0x7: {  	s7 =	simm.s32 $0x2;
	s2 =	sshll.u32 s2, $0x6;
	s1 =	simm.s32 @!p0 $0x40  }
0x8: {  	s10 =	simm.s32 $0x3;
	s13 =	simm.s32 $0x0;
	s3 =	sadd.s32 s1, s2  }
0x9: {  	s12 =	simm.s32 $0x0;
	s4 =	sadd.s32 $0x800, s9;
	s3 =	smin.u32 s3, $0xA00  }
.Ltmp0:
0xa: {  	s5 =	sadd.s32 $0x7A1A00, s9;
	s8 =	ssub.s32 s3, s2;
	(pc) =	sbr.rel .LBB2_1-.Ltmp0, $4  }
0xb: {  	s1 =	rddreg [dreg:$0x1];
	_ =	strace $0x80000047;
	p0 =	sgt.s32 s8, $0x0  }
0xc: {  	s9 =	sadd.s32 $0x7A1C00, s9;
	[sflag:s6] =	ssyncpa.u1 $0x0;
	s8 =	simm.s32 @!p0 $0x0  }
0xd: {  	s11 =	smov.u32 s2;
	[sflag:s7] =	ssyncpa.u1 $0x0;
	s8 =	sshrl.u32 s8, $0x6  }
0xe: {  	vm0 =	vmmov $0xff;
	vm1 =	vcmask $0x3F20;
	[sflag:s10] =	ssyncpa.u1 $0x0;
	p0 =	por $0x0, $0x0;
	s10 =	sadd.s32 $0x1, s8  }
.LBB2_6:
0xf: {  	[hbm:s17] =	stream.linear.scatter [tilespmem:s14], [sflag:$0x3], $0x400, $0x38;
	[tilespmem:$0x4080] =	vst v63  }
.LBB2_7:
0x10: {  	s13 =	sadd.s32 $0x40, s11  }
0x11: {  	s15 =	smov.u32 s2;
	p2 =	slt.s32 s13, s3  }
0x12: {  	s15 =	smov.u32 @p2 s13;
	p2 =	sne.s32 s12, s10  }
.Ltmp1:
0x13: {  	p1 =	slt.u32 s12, $0x2;
	(pc) =	sbr.rel @!p2 .LBB2_8-.Ltmp1, $4  }
0x14: {  	s14 =	simm.s32 @!p1 $0x3  }
0x15: {  	s16 =	sadd.s32 $0x1, s12;
	_ =	swait.ge @!p1 [sflag:s14], $0x2000  }
0x16: {  	p0 =	por !p0, !p0;
	s13 =	smov.u32 s11;
	[sflag:s14] =	ssyncset.done @!p1 $0x0  }
0x17: {  	s12 =	smov.u32 s16;
	s11 =	smov.u32 s15;
	[sflag:s14] =	ssyncadd.s32 @!p1 $0xFFFFE000  }
.LBB2_1:
0x18: {  	p1 =	sge.u32 s12, s8  }
0x19: {  	s14 =	sxor.u32 @!p1 $0xFFFFFFFF, s12  }
0x1a: {  	s31 =	sadd.s32 $0xFFFFFFFF, s12;
	s15 =	sshrl.u32 @!p1 s11, $0x3;
	s14 =	sshll.u32 @!p1 s14, $0x6  }
0x1b: {  	s16 =	sand.u32 @!p1 $0x7, s11;
	s15 =	sadd.s32 @!p1 s5, s15;
	s14 =	sand.u32 @!p1 $0x40, s14  }
0x1c: {  	[tilespmem:s14], [sflag:$0x2] =	stream.linear.gather @!p1 [hbm4b:s15+s16], $0x40, $0x38;
	[tilespmem:$0x4080] =	vst v63  }
0x1d: {  	p1 =	sge.u32 s31, s8  }
.Ltmp2:
0x1e: {  	_ = 	snop;
	(pc) =	sbr.rel @p1 .LBB2_7-.Ltmp2, $1  }
0x1f: {  	_ =	sdelay $0x3  }
0x20: {  	s14 =	simm.s32 $0x1  }
0x21: {  	_ =	swait.ge [sflag:s7], $0x40;
	s14 =	simm.s32 @!p0 $0x0  }
0x22: {  	[sflag:s7] =	ssyncset.done $0x0;
	s16 =	sshll.u32 s14, $0x6  }
0x23: {  	[sflag:s7] =	ssyncadd.s32 $0xFFFFFFC0;
	s15 =	sadd.s32 $0x0, s16  }
0x24: {  	v0 =	vld.msk [tilespmem:s15+$0x0 ss:$0x1], $0xffff;
	_ =	sdelay $0x4  }
0x25: {  	vm2 =	vgt.s32 v0, $0x0  }
0x26: {  	v0 =	vnsel vm2, $0x0, v0  }
0x27: {  	v0 =	vmin.u32 v0, $0x7A11F  }
0x28: {  	v0 =	vshll.u32 v0, $0x4;
	_ =	sdelay $0x2  }
0x29: {  	s14 =	sshll.u32 s14, $0xD  }
0x2a: {  	s14 =	sor.u32 $0x80, s14  }
0x2b: {  	[tilespmem:s14], [sflag:$0x1] =	stream.indirect_vreg.gather [hbm:s4], $0x80, v0, vm0, $0x38;
	[tilespmem:$0x4080] =	vst v63  }
0x2c: {  	s17 =	sadd.s32 $0x10, s16;
	s15 =	sadd.s32 $0x400, s14  }
0x2d: {  	[tilespmem:s15], [sflag:$0x1] =	stream.indirect_vreg.gather [hbm:s4], $0x80, v0, vm1, $0x38;
	[tilespmem:$0x4080] =	vst v63  }
0x2e: {  	s18 =	simm.s32 $0x80;
	v0 =	vld.msk [tilespmem:s17+$0x0 ss:$0x1], $0xffff;
	s17 =	smov.u32 s14  }
.LBB2_3:
0x2f: {  	p1 =	sne.s32 s18, $0xC0;
	_ =	sdelay $0x4  }
0x30: {  	vm2 =	vgt.s32 v0, $0x0  }
0x31: {  	v0 =	vnsel vm2, $0x0, v0  }
0x32: {  	v0 =	vmin.u32 v0, $0x7A11F  }
0x33: {  	v0 =	vshll.u32 v0, $0x4;
	_ =	sdelay $0x3  }
.Ltmp3:
0x34: {  	s19 =	sshra.s32 s18, $0x2;
	s17 =	sadd.s32 $0x800, s17;
	(pc) =	sbr.rel @p1 .LBB2_3-.Ltmp3, $4  }
0x35: {  	[tilespmem:s17], [sflag:$0x1] =	stream.indirect_vreg.gather [hbm:s4], $0x80, v0, vm0, $0x38;
	[tilespmem:$0x4080] =	vst v63  }
0x36: {  	s19 =	sadd.s32 s19, s16;
	s20 =	sadd.s32 $0x400, s17  }
0x37: {  	[tilespmem:s20], [sflag:$0x1] =	stream.indirect_vreg.gather [hbm:s4], $0x80, v0, vm1, $0x38;
	[tilespmem:$0x4080] =	vst v63  }
0x38: {  	s18 =	sadd.s32 $0x40, s18;
	v0 =	vld.msk [tilespmem:s19+$0x0 ss:$0x1], $0xffff  }
0x39: {  	_ =	sdelay $0x3  }
0x3a: {  	vm2 =	vgt.s32 v0, $0x0  }
0x3b: {  	v0 =	vnsel vm2, $0x0, v0  }
0x3c: {  	v0 =	vmin.u32 v0, $0x7A11F  }
0x3d: {  	v0 =	vshll.u32 v0, $0x4;
	_ =	sdelay $0x3  }
0x3e: {  	s16 =	sadd.s32 $0x800, s17  }
0x3f: {  	[tilespmem:s16], [sflag:$0x1] =	stream.indirect_vreg.gather [hbm:s4], $0x80, v0, vm0, $0x38;
	[tilespmem:$0x4080] =	vst v63  }
0x40: {  	s16 =	sadd.s32 $0x400, s16  }
0x41: {  	[tilespmem:s16], [sflag:$0x1] =	stream.indirect_vreg.gather [hbm:s4], $0x80, v0, vm1, $0x38;
	[tilespmem:$0x4080] =	vst v63  }
0x42: {  	s13 =	sshll.u32 s13, $0x4;
	_ =	swait.ge [sflag:s6], $0x2000  }
0x43: {  	s13 =	sadd.s32 s13, s9;
	[sflag:s6] =	ssyncset.done $0x0  }
0x44: {  	s17 =	sadd.s32 $0x0, s13;
	s16 =	simm.s32 $0x80;
	[sflag:s6] =	ssyncadd.s32 $0xFFFFE000  }
.LBB2_5:
0x45: {  	[hbm:s17] =	stream.linear.scatter [tilespmem:s14], [sflag:$0x3], $0x400, $0x38;
	[tilespmem:$0x4080] =	vst v63  }
0x46: {  	s17 =	smov.u32 s16;
	s14 =	smov.u32 s15;
	p1 =	sne.s32 s16, $0x380  }
.Ltmp4:
0x47: {  	s16 =	sadd.s32 $0x80, s16;
	(pc) =	sbr.rel @p1 .LBB2_5-.Ltmp4, $2  }
0x48: {  	_ =	sdelay $0x2  }
0x49: {  	s15 =	sadd.s32 $0x400, s15;
	s17 =	sadd.s32 s17, s13  }
.Ltmp5:
0x4a: {  	_ = 	snop;
	(pc) =	sbr.rel .LBB2_6-.Ltmp5, $1  }
0x4b: {  	_ =	sdelay $0x3  }
.LBB2_8:
0x4c: {  	_ =	sfence.sel $0x180000  }
0x4d: {  	s2 =	simm.s32 $0x2;
	[bflag:$0x0] =	sbarrier.arrive $0xFFFF  }
0x4e: {  	s30 =	simm.s32 $0x3;
	[sflag:s2] =	ssyncpa.u1 $0x1  }
0x4f: {  	s31 =	simm.s32 $0x1;
	[sflag:s30] =	ssyncpa.u1 $0x1  }
0x50: {  	[sflag:s31] =	ssyncpa.u1 $0x1  }
0x51: {  	p0 =	sne.s32 s0, $0x0;
	_ =	strace $0x90000047  }
0x52: {  	s0 =	sadd.s32 @!p0 $0x100000, s1;
	[bflag:$0x2] =	sbarrier.arrive $0xFFFF  }
0x53: {  	[sflag:s0] =	ssyncadd.tile.s32 @!p0 $0x1;
	_ =	shalt  }
.Lfunc_end2:
_tile_overlayer_lowered:
.L_overlay_start_2:
0x54: {  	(tag) =	ssettag $0x2  }
0x55: {  	s0 =	rddreg [dreg:$0x0];
	s2 =	stileid.u32  }
0x56: {  	s1 =	rddreg [dreg:$0x1];
	p0 =	sne.s32 s2, $0x0  }
0x57: {  	s3 =	rddreg [dreg:$0x2];
	[bflag:$0x3] =	sbarrier.arrive $0xFFFF;
	s2 =	simm.s32 @!p0 $0x1C01  }
0x58: {  	[timem:s3], [sflag:s2] =	dma.local @!p0 [hbm:s0], s1  }
0x59: {  	s0 =	simm.s32 @!p0 $0x1  }
0x5a: {  	_ =	swait.ge @!p0 [sflag:s0], s1  }
0x5b: {  	s1 =	ssub.s32 @!p0 $0x0, s1;
	[sflag:s0] =	ssyncset.done @!p0 $0x0  }
0x5c: {  	[sflag:s0] =	ssyncadd.s32 @!p0 s1  }
0x5d: {  	[bflag:$0x3] =	sbarrier.arrive $0xFFFF  }
0x5e: {  	_ =	shalt  }

</sc_bundles>
